<compile_context>
chip_gen: v7x
topology: tpu7x:2x2x1
jax: 0.10.2.dev20260603
libtpu: 0.0.44.dev20260713+nightly
codegen_flags: <defaults>
</compile_context>

<pallas_src>
import functools

import jax
import jax.numpy as jnp
from jax import lax
from jax.experimental import pallas as pl
from jax.experimental.pallas import tpu as pltpu
from jax.experimental.pallas import tpu_sc as plsc

_K = 4
_STD = 5.0
_BLK = 1024
_NW = 32
_NSPLIT = 1
_CHUNK = 64
_NG = 128


def _topk_body(lrow_ref, labt_ref, lcol_ref, i1_ref, i2_ref, i3_ref,
               w0_ref, w1_ref, w2_ref, w3_ref):
    B = lrow_ref.shape[1]
    R = lcol_ref.shape[0]
    NA = B // _NG
    row_g = (pl.program_id(0) * R
             + lax.broadcasted_iota(jnp.int32, (R, 1), 0))

    lab_col = lcol_ref[:, :]

    gm = None
    for a in range(NA):
        d = jnp.abs(lrow_ref[:, a * _NG:(a + 1) * _NG] - lab_col)
        gm = d if gm is None else jnp.minimum(gm, d)

    iota_b = lax.broadcasted_iota(jnp.int32, (R, _NG), 1)
    bts = []
    for t in range(_K):
        if t == 0:
            m = jnp.zeros((R, 1), jnp.float32)
        else:
            m = jnp.min(gm, axis=1, keepdims=True)
        bt = jnp.min(jnp.where(gm == m, iota_b, _NG), axis=1, keepdims=True)
        bts.append(bt)
        if t < _K - 1:
            gm = jnp.where(iota_b == bt, jnp.inf, gm)

    iota_a = lax.broadcasted_iota(jnp.int32, (R, NA), 1)
    cands = []
    colidxs = []
    for t in range(_K):
        oh = jnp.where(iota_b == bts[t], 1.0, 0.0)
        glab = jnp.dot(oh, labt_ref[:, :], precision=lax.Precision.HIGHEST,
                       preferred_element_type=jnp.float32)
        colidx = iota_a * _NG + bts[t]
        cands.append(jnp.where(colidx == row_g, jnp.inf,
                               jnp.abs(glab - lab_col)))
        colidxs.append(colidx)

    inv2s2 = 1.0 / (2.0 * _STD * _STD)
    big = jnp.int32(B)
    idxs = []
    ws = [jnp.ones((R, 1), jnp.float32)]
    for k in range(_K - 1):
        mm = jnp.minimum(jnp.minimum(cands[0], cands[1]),
                         jnp.minimum(cands[2], cands[3]))
        m = jnp.min(mm, axis=1, keepdims=True)
        c2 = [jnp.where(cands[t] == m, colidxs[t], big) for t in range(_K)]
        jj = jnp.minimum(jnp.minimum(c2[0], c2[1]),
                         jnp.minimum(c2[2], c2[3]))
        jdx = jnp.min(jj, axis=1, keepdims=True)
        idxs.append(jdx)
        ws.append(jnp.exp(-(m * m) * inv2s2))
        if k < _K - 2:
            for t in range(_K):
                cands[t] = jnp.where(colidxs[t] == jdx, jnp.inf, cands[t])

    rs = 1.0 / (ws[0] + ws[1] + ws[2] + ws[3])
    for iref, jdx in zip((i1_ref, i2_ref, i3_ref), idxs):
        iref[:, :] = jdx
    for wref, w in zip((w0_ref, w1_ref, w2_ref, w3_ref), ws):
        wref[:, :] = w * rs


def _sc_gather_body(struct_hbm, i1, i2, i3, g1, g2, g3,
                    idx_v, rows_v, s0, s1, s2, s3, s4, s5):
    wid = lax.axis_index("s") * 2 + lax.axis_index("c")
    rows_per_w = i1.shape[0] // _NW
    base = wid * rows_per_w
    nc = rows_per_w // _CHUNK
    sems = (s0, s1, s2, s3, s4, s5)
    idx_hbms = (i1, i2, i3)
    g_hbms = (g1, g2, g3)
    copies = []
    for c in range(nc):
        rb = base + c * _CHUNK
        for k in range(3):
            pltpu.sync_copy(idx_hbms[k].at[pl.ds(rb, _CHUNK)],
                            idx_v.at[c, k])
            copies.append(
                pltpu.async_copy(struct_hbm.at[idx_v.at[c, k]],
                                 rows_v.at[c, k], sems[c * 3 + k]))
    for c in range(nc):
        rb = base + c * _CHUNK
        for k in range(3):
            copies[c * 3 + k].wait()
            pltpu.sync_copy(rows_v.at[c, k], g_hbms[k].at[pl.ds(rb, _CHUNK)])


def _combine_body(s_ref, g1_ref, g2_ref, g3_ref,
                  w0_ref, w1_ref, w2_ref, w3_ref, prev_ref, out_ref,
                  *, finalize, total_b):
    i = pl.program_id(0)

    s = s_ref[:, :]
    mean = (w0_ref[:, :] * s + w1_ref[:, :] * g1_ref[:, :]
            + w2_ref[:, :] * g2_ref[:, :] + w3_ref[:, :] * g3_ref[:, :])
    n1 = jnp.sqrt(jnp.sum(s * s, axis=1, keepdims=True))
    n2 = jnp.sqrt(jnp.sum(mean * mean, axis=1, keepdims=True))
    sm = (s / (1e-10 + n1)) * (mean / (1e-10 + n2))
    partial = jnp.sum(sm)

    @pl.when(i == 0)
    def _():
        out_ref[0, 0] = prev_ref[0, 0]

    out_ref[0, 0] += partial

    if finalize:
        @pl.when(i == pl.num_programs(0) - 1)
        def _():
            out_ref[0, 0] = 1.0 - out_ref[0, 0] / total_b


def kernel(Struct, Label):
    B, D = Struct.shape
    H = B // _NSPLIT
    NA = B // _NG
    lrow = Label.reshape(1, B)
    lcol = Label.reshape(B, 1)
    labt = Label.reshape(NA, _NG).T
    grid_h = H // _BLK

    col_i = jax.ShapeDtypeStruct((H, 1), jnp.int32)
    col_f = jax.ShapeDtypeStruct((H, 1), jnp.float32)
    topk_half = pl.pallas_call(
        _topk_body,
        grid=(grid_h,),
        in_specs=[
            pl.BlockSpec((1, B), lambda i: (0, 0)),
            pl.BlockSpec((_NG, NA), lambda i: (0, 0)),
            pl.BlockSpec((_BLK, 1), lambda i: (i, 0)),
        ],
        out_specs=[pl.BlockSpec((_BLK, 1), lambda i: (i, 0))] * 7,
        out_shape=[col_i] * 3 + [col_f] * 4,
    )

    mesh = plsc.VectorSubcoreMesh(core_axis_name="c", subcore_axis_name="s")
    rows_per_w = H // _NW
    nc = rows_per_w // _CHUNK
    gtype = jax.ShapeDtypeStruct((H, D), jnp.float32)
    sc_gather = functools.partial(
        pl.kernel, mesh=mesh,
        out_type=(gtype,) * 3,
        scratch_types=[
            pltpu.VMEM((nc, 3, _CHUNK), jnp.int32),
            pltpu.VMEM((nc, 3, _CHUNK, D), jnp.float32),
        ] + [pltpu.SemaphoreType.DMA] * 6,
    )(_sc_gather_body)

    acc = jnp.zeros((1, 1), jnp.float32)
    for h in range(_NSPLIT):
        i1, i2, i3, w0, w1, w2, w3 = topk_half(
            lrow, labt, lax.slice(lcol, (h * H, 0), ((h + 1) * H, 1)))
        g1, g2, g3 = sc_gather(
            Struct, i1.reshape(H), i2.reshape(H), i3.reshape(H))
        acc = pl.pallas_call(
            functools.partial(_combine_body,
                              finalize=(h == _NSPLIT - 1), total_b=B),
            grid=(grid_h,),
            in_specs=[pl.BlockSpec((_BLK, D), lambda i, h=h: (h * grid_h + i, 0))]
            + [pl.BlockSpec((_BLK, D), lambda i: (i, 0))] * 3
            + [pl.BlockSpec((_BLK, 1), lambda i: (i, 0))] * 4
            + [pl.BlockSpec(memory_space=pltpu.SMEM)],
            out_specs=pl.BlockSpec(memory_space=pltpu.SMEM),
            out_shape=jax.ShapeDtypeStruct((1, 1), jnp.float32),
        )(Struct, g1, g2, g3, w0, w1, w2, w3, acc)
    return acc[0, 0]

# --- scband reference (transcript-rebuilt; emitter-appended) ---
"""Pipeline reference for scband-nest-ta-24489903522481 (READ-ONLY COPY).

The authoritative reference and input builder live on the scoring server;
editing this copy changes nothing except your own understanding.
"""

import jax, jax.numpy as jnp
import numpy as np
import math

NUM_REF = 4
STD = 5.0


def setup_inputs(seed: int = 0) -> dict:
    key = jax.random.key(seed)
    k1, k2 = jax.random.split(key)
    Struct = jax.random.normal(k1, (4096, 256), dtype=jnp.float32)
    Label = jax.random.normal(k2, (4096,), dtype=jnp.float32) * 3.0
    return {"Struct": Struct, "Label": Label}


def _gaussian_smooth(sample, mean, std):
    w = jnp.exp(-jnp.abs(sample - mean) ** 2 / (2.0 * std ** 2)) / (
        jnp.sqrt(jnp.asarray(2.0 * math.pi, dtype=sample.dtype)) * std
    )
    w = w / jnp.sum(w, axis=1, keepdims=True)
    return w


def _cos_sim(l1, l2):
    l1_mod = l1 / (1e-10 + jnp.linalg.norm(l1, ord=2, axis=1, keepdims=True))
    l2_mod = l2 / (1e-10 + jnp.linalg.norm(l2, ord=2, axis=1, keepdims=True))
    return jnp.mean(jnp.sum(l1_mod * l2_mod, axis=1))


def reference(Struct, Label):
    B = Struct.shape[0]
    # Label[Ref_Index].reshape(B, B): each row is the full Label vector (detached)
    Label_ref = jax.lax.stop_gradient(jnp.broadcast_to(Label[None, :], (B, B)))
    Res_abs = jnp.abs(Label_ref - Label[:, None])
    sort_index = jnp.argsort(Res_abs, axis=1)  # ascending
    idx = sort_index[:, :NUM_REF]
    Struct_ref = Struct[idx]  # [B, K, d] gather
    Label_ref_k = jax.lax.stop_gradient(Label[idx])  # [B, K]
    gmm_wight = _gaussian_smooth(Label_ref_k, Label[:, None], STD)
    Struct_mean = jnp.sum(gmm_wight[:, :, None] * Struct_ref, axis=1)  # [B, d]
    Label_mean = jnp.sum(gmm_wight * Label_ref_k, axis=1)  # [B]
    Label_res = Label_ref_k - Label_mean[:, None]
    Struct_res = Struct_ref - Struct_mean[:, None, :]
    Label_d = Label[:, None] - Label_mean[:, None]
    ratio = (gmm_wight * (Label_d / (1e-10 + Label_res)))[:, :, None]
    Struct_smooth = jnp.sum(ratio * Struct_res, axis=1) + Struct_mean  # computed as in original (unused in output)
    sim = _cos_sim(Struct, Struct_mean)
    return 1.0 - sim

if __name__ == "__main__":
    import jax
    _d = setup_inputs()
    print(jax.jit(kernel)(*tuple(_d.values())))

</pallas_src>

<mosaic_0001>
#map = affine_map<(d0, d1) -> (0, 0)>
#map1 = affine_map<(d0, d1) -> (0)>
module attributes {stable_mosaic.version = 14 : i64} {
  func.func @_sc_gather_body(%arg0: i32, %arg1: i32, %arg2: memref<4096x256xf32, #tpu.memory_space<hbm>>, %arg3: memref<4096xi32, #tpu.memory_space<hbm>>, %arg4: memref<4096xi32, #tpu.memory_space<hbm>>, %arg5: memref<4096xi32, #tpu.memory_space<hbm>>, %arg6: memref<4096x256xf32, #tpu.memory_space<hbm>>, %arg7: memref<4096x256xf32, #tpu.memory_space<hbm>>, %arg8: memref<4096x256xf32, #tpu.memory_space<hbm>>, %arg9: memref<2x3x64xi32, #tpu.memory_space<vmem>>, %arg10: memref<2x3x64x256xf32, #tpu.memory_space<vmem>>, %arg11: memref<!tpu.dma_semaphore, #tpu.memory_space<semaphore_mem>>, %arg12: memref<!tpu.dma_semaphore, #tpu.memory_space<semaphore_mem>>, %arg13: memref<!tpu.dma_semaphore, #tpu.memory_space<semaphore_mem>>, %arg14: memref<!tpu.dma_semaphore, #tpu.memory_space<semaphore_mem>>, %arg15: memref<!tpu.dma_semaphore, #tpu.memory_space<semaphore_mem>>, %arg16: memref<!tpu.dma_semaphore, #tpu.memory_space<semaphore_mem>>) attributes {dimension_semantics = [#tpu.dimension_semantics<core_parallel>, #tpu.dimension_semantics<subcore_parallel>], iteration_bounds = array<i64: 2, 16>, scalar_prefetch = 0 : i64, scratch_operands = 8 : i64, tpu.core_type = #tpu.core_type<sc_vector_subcore>, window_params = [{transform_indices = #map}, {transform_indices = #map1}, {transform_indices = #map1}, {transform_indices = #map1}, {transform_indices = #map}, {transform_indices = #map}, {transform_indices = #map}]} {
    %mul3A = arith.constant 2 : i32
    %mul3A_0 = arith.muli %arg1, %mul3A : i32
    %add3A = arith.addi %mul3A_0, %arg0 : i32
    %mul3A_1 = arith.constant 128 : i32
    %mul3A_2 = arith.muli %add3A, %mul3A_1 : i32
    %add3A_3 = arith.constant 0 : i32
    %add3A_4 = arith.addi %mul3A_2, %add3A_3 : i32
    %run_scoped3A = arith.constant 0 : i32
    %run_scoped3A_5 = arith.constant 0 : i32
    "tpu.region"() ({
      %run_scoped3A_200 = tpu.sem_alloc : memref<!tpu.dma_semaphore, #tpu.memory_space<semaphore_mem>>
      %dma_start3A_201 = arith.constant 0 : i32
      %dma_start3A_202 = tpu.memref_slice %arg9[%run_scoped3A, %run_scoped3A_5, %dma_start3A_201] : memref<2x3x64xi32, #tpu.memory_space<vmem>> -> memref<1x1x64xi32, #tpu.memory_space<vmem>>
      %dma_start3A_203 = tpu.memref_squeeze %dma_start3A_202 : memref<1x1x64xi32, #tpu.memory_space<vmem>> -> memref<64xi32, #tpu.memory_space<vmem>>
      %dma_start3A_204 = tpu.memref_slice %arg3[%add3A_4] : memref<4096xi32, #tpu.memory_space<hbm>> -> memref<64xi32, #tpu.memory_space<hbm>>
      %dma_start3A_205 = arith.constant 0 : i32
      %dma_start3A_206 = tpu.memref_slice %arg9[%run_scoped3A, %run_scoped3A_5, %dma_start3A_205] : memref<2x3x64xi32, #tpu.memory_space<vmem>> -> memref<1x1x64xi32, #tpu.memory_space<vmem>>
      %dma_start3A_207 = tpu.memref_squeeze %dma_start3A_206 : memref<1x1x64xi32, #tpu.memory_space<vmem>> -> memref<64xi32, #tpu.memory_space<vmem>>
      %dma_start3A_208 = tpu.memref_slice %arg3[%add3A_4] : memref<4096xi32, #tpu.memory_space<hbm>> -> memref<64xi32, #tpu.memory_space<hbm>>
      tpu.enqueue_dma source(%dma_start3A_208 : memref<64xi32, #tpu.memory_space<hbm>>) target(%dma_start3A_207 : memref<64xi32, #tpu.memory_space<vmem>>) target_semaphore(%run_scoped3A_200 : memref<!tpu.dma_semaphore, #tpu.memory_space<semaphore_mem>>)
      %dma_wait3A_209 = arith.constant 0 : i32
      %dma_wait3A_210 = tpu.memref_slice %arg9[%run_scoped3A, %run_scoped3A_5, %dma_wait3A_209] : memref<2x3x64xi32, #tpu.memory_space<vmem>> -> memref<1x1x64xi32, #tpu.memory_space<vmem>>
      %dma_wait3A_211 = tpu.memref_squeeze %dma_wait3A_210 : memref<1x1x64xi32, #tpu.memory_space<vmem>> -> memref<64xi32, #tpu.memory_space<vmem>>
      %dma_wait3A_212 = tpu.memref_slice %arg3[%add3A_4] : memref<4096xi32, #tpu.memory_space<hbm>> -> memref<64xi32, #tpu.memory_space<hbm>>
      %dma_wait3A_213 = arith.constant 0 : i32
      %dma_wait3A_214 = tpu.memref_slice %arg9[%run_scoped3A, %run_scoped3A_5, %dma_wait3A_213] : memref<2x3x64xi32, #tpu.memory_space<vmem>> -> memref<1x1x64xi32, #tpu.memory_space<vmem>>
      %dma_wait3A_215 = tpu.memref_squeeze %dma_wait3A_214 : memref<1x1x64xi32, #tpu.memory_space<vmem>> -> memref<64xi32, #tpu.memory_space<vmem>>
      %dma_wait3A_216 = tpu.memref_slice %arg3[%add3A_4] : memref<4096xi32, #tpu.memory_space<hbm>> -> memref<64xi32, #tpu.memory_space<hbm>>
      tpu.wait_dma2 semaphore(%run_scoped3A_200 : memref<!tpu.dma_semaphore, #tpu.memory_space<semaphore_mem>>) src(%dma_wait3A_216 : memref<64xi32, #tpu.memory_space<hbm>>) dst(%dma_wait3A_215 : memref<64xi32, #tpu.memory_space<vmem>>)
      tpu.yield
    }) : () -> ()
    %dma_start3A = arith.constant 0 : i32
    %dma_start3A_6 = arith.constant 0 : i32
    %dma_start3A_7 = arith.constant 0 : i32
    %dma_start3A_8 = arith.constant 0 : i32
    %dma_start3A_9 = arith.constant 0 : i32
    %dma_start3A_10 = arith.constant 0 : i32
    %dma_start3A_11 = tpu.memref_slice %arg10[%dma_start3A_7, %dma_start3A_8, %dma_start3A_9, %dma_start3A_10] : memref<2x3x64x256xf32, #tpu.memory_space<vmem>> -> memref<1x1x64x256xf32, #tpu.memory_space<vmem>>
    %dma_start3A_12 = tpu.memref_squeeze %dma_start3A_11 : memref<1x1x64x256xf32, #tpu.memory_space<vmem>> -> memref<64x256xf32, #tpu.memory_space<vmem>>
    %dma_start3A_13 = arith.constant 0 : i32
    %dma_start3A_14 = tpu.memref_slice %arg9[%dma_start3A, %dma_start3A_6, %dma_start3A_13] : memref<2x3x64xi32, #tpu.memory_space<vmem>> -> memref<1x1x64xi32, #tpu.memory_space<vmem>>
    %dma_start3A_15 = tpu.memref_squeeze %dma_start3A_14 : memref<1x1x64xi32, #tpu.memory_space<vmem>> -> memref<64xi32, #tpu.memory_space<vmem>>
    %dma_start3A_16 = arith.constant 0 : i32
    %dma_start3A_17 = arith.constant 0 : i32
    %dma_start3A_18 = tpu.memref_slice %arg2[%dma_start3A_16, %dma_start3A_17] : memref<4096x256xf32, #tpu.memory_space<hbm>> -> memref<4096x256xf32, #tpu.memory_space<hbm>>
    tpu.enqueue_indirect_dma source(%dma_start3A_18 : memref<4096x256xf32, #tpu.memory_space<hbm>>) target(%dma_start3A_12 : memref<64x256xf32, #tpu.memory_space<vmem>>) offsets(%dma_start3A_15 : memref<64xi32, #tpu.memory_space<vmem>>) semaphore(%arg11 : memref<!tpu.dma_semaphore, #tpu.memory_space<semaphore_mem>>)
    %run_scoped3A_19 = arith.constant 0 : i32
    %run_scoped3A_20 = arith.constant 1 : i32
    "tpu.region"() ({
      %run_scoped3A_200 = tpu.sem_alloc : memref<!tpu.dma_semaphore, #tpu.memory_space<semaphore_mem>>
      %dma_start3A_201 = arith.constant 0 : i32
      %dma_start3A_202 = tpu.memref_slice %arg9[%run_scoped3A_19, %run_scoped3A_20, %dma_start3A_201] : memref<2x3x64xi32, #tpu.memory_space<vmem>> -> memref<1x1x64xi32, #tpu.memory_space<vmem>>
      %dma_start3A_203 = tpu.memref_squeeze %dma_start3A_202 : memref<1x1x64xi32, #tpu.memory_space<vmem>> -> memref<64xi32, #tpu.memory_space<vmem>>
      %dma_start3A_204 = tpu.memref_slice %arg4[%add3A_4] : memref<4096xi32, #tpu.memory_space<hbm>> -> memref<64xi32, #tpu.memory_space<hbm>>
      %dma_start3A_205 = arith.constant 0 : i32
      %dma_start3A_206 = tpu.memref_slice %arg9[%run_scoped3A_19, %run_scoped3A_20, %dma_start3A_205] : memref<2x3x64xi32, #tpu.memory_space<vmem>> -> memref<1x1x64xi32, #tpu.memory_space<vmem>>
      %dma_start3A_207 = tpu.memref_squeeze %dma_start3A_206 : memref<1x1x64xi32, #tpu.memory_space<vmem>> -> memref<64xi32, #tpu.memory_space<vmem>>
      %dma_start3A_208 = tpu.memref_slice %arg4[%add3A_4] : memref<4096xi32, #tpu.memory_space<hbm>> -> memref<64xi32, #tpu.memory_space<hbm>>
      tpu.enqueue_dma source(%dma_start3A_208 : memref<64xi32, #tpu.memory_space<hbm>>) target(%dma_start3A_207 : memref<64xi32, #tpu.memory_space<vmem>>) target_semaphore(%run_scoped3A_200 : memref<!tpu.dma_semaphore, #tpu.memory_space<semaphore_mem>>)
      %dma_wait3A_209 = arith.constant 0 : i32
      %dma_wait3A_210 = tpu.memref_slice %arg9[%run_scoped3A_19, %run_scoped3A_20, %dma_wait3A_209] : memref<2x3x64xi32, #tpu.memory_space<vmem>> -> memref<1x1x64xi32, #tpu.memory_space<vmem>>
      %dma_wait3A_211 = tpu.memref_squeeze %dma_wait3A_210 : memref<1x1x64xi32, #tpu.memory_space<vmem>> -> memref<64xi32, #tpu.memory_space<vmem>>
      %dma_wait3A_212 = tpu.memref_slice %arg4[%add3A_4] : memref<4096xi32, #tpu.memory_space<hbm>> -> memref<64xi32, #tpu.memory_space<hbm>>
      %dma_wait3A_213 = arith.constant 0 : i32
      %dma_wait3A_214 = tpu.memref_slice %arg9[%run_scoped3A_19, %run_scoped3A_20, %dma_wait3A_213] : memref<2x3x64xi32, #tpu.memory_space<vmem>> -> memref<1x1x64xi32, #tpu.memory_space<vmem>>
      %dma_wait3A_215 = tpu.memref_squeeze %dma_wait3A_214 : memref<1x1x64xi32, #tpu.memory_space<vmem>> -> memref<64xi32, #tpu.memory_space<vmem>>
      %dma_wait3A_216 = tpu.memref_slice %arg4[%add3A_4] : memref<4096xi32, #tpu.memory_space<hbm>> -> memref<64xi32, #tpu.memory_space<hbm>>
      tpu.wait_dma2 semaphore(%run_scoped3A_200 : memref<!tpu.dma_semaphore, #tpu.memory_space<semaphore_mem>>) src(%dma_wait3A_216 : memref<64xi32, #tpu.memory_space<hbm>>) dst(%dma_wait3A_215 : memref<64xi32, #tpu.memory_space<vmem>>)
      tpu.yield
    }) : () -> ()
    %dma_start3A_21 = arith.constant 0 : i32
    %dma_start3A_22 = arith.constant 1 : i32
    %dma_start3A_23 = arith.constant 0 : i32
    %dma_start3A_24 = arith.constant 1 : i32
    %dma_start3A_25 = arith.constant 0 : i32
    %dma_start3A_26 = arith.constant 0 : i32
    %dma_start3A_27 = tpu.memref_slice %arg10[%dma_start3A_23, %dma_start3A_24, %dma_start3A_25, %dma_start3A_26] : memref<2x3x64x256xf32, #tpu.memory_space<vmem>> -> memref<1x1x64x256xf32, #tpu.memory_space<vmem>>
    %dma_start3A_28 = tpu.memref_squeeze %dma_start3A_27 : memref<1x1x64x256xf32, #tpu.memory_space<vmem>> -> memref<64x256xf32, #tpu.memory_space<vmem>>
    %dma_start3A_29 = arith.constant 0 : i32
    %dma_start3A_30 = tpu.memref_slice %arg9[%dma_start3A_21, %dma_start3A_22, %dma_start3A_29] : memref<2x3x64xi32, #tpu.memory_space<vmem>> -> memref<1x1x64xi32, #tpu.memory_space<vmem>>
    %dma_start3A_31 = tpu.memref_squeeze %dma_start3A_30 : memref<1x1x64xi32, #tpu.memory_space<vmem>> -> memref<64xi32, #tpu.memory_space<vmem>>
    %dma_start3A_32 = arith.constant 0 : i32
    %dma_start3A_33 = arith.constant 0 : i32
    %dma_start3A_34 = tpu.memref_slice %arg2[%dma_start3A_32, %dma_start3A_33] : memref<4096x256xf32, #tpu.memory_space<hbm>> -> memref<4096x256xf32, #tpu.memory_space<hbm>>
    tpu.enqueue_indirect_dma source(%dma_start3A_34 : memref<4096x256xf32, #tpu.memory_space<hbm>>) target(%dma_start3A_28 : memref<64x256xf32, #tpu.memory_space<vmem>>) offsets(%dma_start3A_31 : memref<64xi32, #tpu.memory_space<vmem>>) semaphore(%arg12 : memref<!tpu.dma_semaphore, #tpu.memory_space<semaphore_mem>>)
    %run_scoped3A_35 = arith.constant 0 : i32
    %run_scoped3A_36 = arith.constant 2 : i32
    "tpu.region"() ({
      %run_scoped3A_200 = tpu.sem_alloc : memref<!tpu.dma_semaphore, #tpu.memory_space<semaphore_mem>>
      %dma_start3A_201 = arith.constant 0 : i32
      %dma_start3A_202 = tpu.memref_slice %arg9[%run_scoped3A_35, %run_scoped3A_36, %dma_start3A_201] : memref<2x3x64xi32, #tpu.memory_space<vmem>> -> memref<1x1x64xi32, #tpu.memory_space<vmem>>
      %dma_start3A_203 = tpu.memref_squeeze %dma_start3A_202 : memref<1x1x64xi32, #tpu.memory_space<vmem>> -> memref<64xi32, #tpu.memory_space<vmem>>
      %dma_start3A_204 = tpu.memref_slice %arg5[%add3A_4] : memref<4096xi32, #tpu.memory_space<hbm>> -> memref<64xi32, #tpu.memory_space<hbm>>
      %dma_start3A_205 = arith.constant 0 : i32
      %dma_start3A_206 = tpu.memref_slice %arg9[%run_scoped3A_35, %run_scoped3A_36, %dma_start3A_205] : memref<2x3x64xi32, #tpu.memory_space<vmem>> -> memref<1x1x64xi32, #tpu.memory_space<vmem>>
      %dma_start3A_207 = tpu.memref_squeeze %dma_start3A_206 : memref<1x1x64xi32, #tpu.memory_space<vmem>> -> memref<64xi32, #tpu.memory_space<vmem>>
      %dma_start3A_208 = tpu.memref_slice %arg5[%add3A_4] : memref<4096xi32, #tpu.memory_space<hbm>> -> memref<64xi32, #tpu.memory_space<hbm>>
      tpu.enqueue_dma source(%dma_start3A_208 : memref<64xi32, #tpu.memory_space<hbm>>) target(%dma_start3A_207 : memref<64xi32, #tpu.memory_space<vmem>>) target_semaphore(%run_scoped3A_200 : memref<!tpu.dma_semaphore, #tpu.memory_space<semaphore_mem>>)
      %dma_wait3A_209 = arith.constant 0 : i32
      %dma_wait3A_210 = tpu.memref_slice %arg9[%run_scoped3A_35, %run_scoped3A_36, %dma_wait3A_209] : memref<2x3x64xi32, #tpu.memory_space<vmem>> -> memref<1x1x64xi32, #tpu.memory_space<vmem>>
      %dma_wait3A_211 = tpu.memref_squeeze %dma_wait3A_210 : memref<1x1x64xi32, #tpu.memory_space<vmem>> -> memref<64xi32, #tpu.memory_space<vmem>>
      %dma_wait3A_212 = tpu.memref_slice %arg5[%add3A_4] : memref<4096xi32, #tpu.memory_space<hbm>> -> memref<64xi32, #tpu.memory_space<hbm>>
      %dma_wait3A_213 = arith.constant 0 : i32
      %dma_wait3A_214 = tpu.memref_slice %arg9[%run_scoped3A_35, %run_scoped3A_36, %dma_wait3A_213] : memref<2x3x64xi32, #tpu.memory_space<vmem>> -> memref<1x1x64xi32, #tpu.memory_space<vmem>>
      %dma_wait3A_215 = tpu.memref_squeeze %dma_wait3A_214 : memref<1x1x64xi32, #tpu.memory_space<vmem>> -> memref<64xi32, #tpu.memory_space<vmem>>
      %dma_wait3A_216 = tpu.memref_slice %arg5[%add3A_4] : memref<4096xi32, #tpu.memory_space<hbm>> -> memref<64xi32, #tpu.memory_space<hbm>>
      tpu.wait_dma2 semaphore(%run_scoped3A_200 : memref<!tpu.dma_semaphore, #tpu.memory_space<semaphore_mem>>) src(%dma_wait3A_216 : memref<64xi32, #tpu.memory_space<hbm>>) dst(%dma_wait3A_215 : memref<64xi32, #tpu.memory_space<vmem>>)
      tpu.yield
    }) : () -> ()
    %dma_start3A_37 = arith.constant 0 : i32
    %dma_start3A_38 = arith.constant 2 : i32
    %dma_start3A_39 = arith.constant 0 : i32
    %dma_start3A_40 = arith.constant 2 : i32
    %dma_start3A_41 = arith.constant 0 : i32
    %dma_start3A_42 = arith.constant 0 : i32
    %dma_start3A_43 = tpu.memref_slice %arg10[%dma_start3A_39, %dma_start3A_40, %dma_start3A_41, %dma_start3A_42] : memref<2x3x64x256xf32, #tpu.memory_space<vmem>> -> memref<1x1x64x256xf32, #tpu.memory_space<vmem>>
    %dma_start3A_44 = tpu.memref_squeeze %dma_start3A_43 : memref<1x1x64x256xf32, #tpu.memory_space<vmem>> -> memref<64x256xf32, #tpu.memory_space<vmem>>
    %dma_start3A_45 = arith.constant 0 : i32
    %dma_start3A_46 = tpu.memref_slice %arg9[%dma_start3A_37, %dma_start3A_38, %dma_start3A_45] : memref<2x3x64xi32, #tpu.memory_space<vmem>> -> memref<1x1x64xi32, #tpu.memory_space<vmem>>
    %dma_start3A_47 = tpu.memref_squeeze %dma_start3A_46 : memref<1x1x64xi32, #tpu.memory_space<vmem>> -> memref<64xi32, #tpu.memory_space<vmem>>
    %dma_start3A_48 = arith.constant 0 : i32
    %dma_start3A_49 = arith.constant 0 : i32
    %dma_start3A_50 = tpu.memref_slice %arg2[%dma_start3A_48, %dma_start3A_49] : memref<4096x256xf32, #tpu.memory_space<hbm>> -> memref<4096x256xf32, #tpu.memory_space<hbm>>
    tpu.enqueue_indirect_dma source(%dma_start3A_50 : memref<4096x256xf32, #tpu.memory_space<hbm>>) target(%dma_start3A_44 : memref<64x256xf32, #tpu.memory_space<vmem>>) offsets(%dma_start3A_47 : memref<64xi32, #tpu.memory_space<vmem>>) semaphore(%arg13 : memref<!tpu.dma_semaphore, #tpu.memory_space<semaphore_mem>>)
    %add3A_51 = arith.constant 64 : i32
    %add3A_52 = arith.addi %mul3A_2, %add3A_51 : i32
    %run_scoped3A_53 = arith.constant 1 : i32
    %run_scoped3A_54 = arith.constant 0 : i32
    "tpu.region"() ({
      %run_scoped3A_200 = tpu.sem_alloc : memref<!tpu.dma_semaphore, #tpu.memory_space<semaphore_mem>>
      %dma_start3A_201 = arith.constant 0 : i32
      %dma_start3A_202 = tpu.memref_slice %arg9[%run_scoped3A_53, %run_scoped3A_54, %dma_start3A_201] : memref<2x3x64xi32, #tpu.memory_space<vmem>> -> memref<1x1x64xi32, #tpu.memory_space<vmem>>
      %dma_start3A_203 = tpu.memref_squeeze %dma_start3A_202 : memref<1x1x64xi32, #tpu.memory_space<vmem>> -> memref<64xi32, #tpu.memory_space<vmem>>
      %dma_start3A_204 = tpu.memref_slice %arg3[%add3A_52] : memref<4096xi32, #tpu.memory_space<hbm>> -> memref<64xi32, #tpu.memory_space<hbm>>
      %dma_start3A_205 = arith.constant 0 : i32
      %dma_start3A_206 = tpu.memref_slice %arg9[%run_scoped3A_53, %run_scoped3A_54, %dma_start3A_205] : memref<2x3x64xi32, #tpu.memory_space<vmem>> -> memref<1x1x64xi32, #tpu.memory_space<vmem>>
      %dma_start3A_207 = tpu.memref_squeeze %dma_start3A_206 : memref<1x1x64xi32, #tpu.memory_space<vmem>> -> memref<64xi32, #tpu.memory_space<vmem>>
      %dma_start3A_208 = tpu.memref_slice %arg3[%add3A_52] : memref<4096xi32, #tpu.memory_space<hbm>> -> memref<64xi32, #tpu.memory_space<hbm>>
      tpu.enqueue_dma source(%dma_start3A_208 : memref<64xi32, #tpu.memory_space<hbm>>) target(%dma_start3A_207 : memref<64xi32, #tpu.memory_space<vmem>>) target_semaphore(%run_scoped3A_200 : memref<!tpu.dma_semaphore, #tpu.memory_space<semaphore_mem>>)
      %dma_wait3A_209 = arith.constant 0 : i32
      %dma_wait3A_210 = tpu.memref_slice %arg9[%run_scoped3A_53, %run_scoped3A_54, %dma_wait3A_209] : memref<2x3x64xi32, #tpu.memory_space<vmem>> -> memref<1x1x64xi32, #tpu.memory_space<vmem>>
      %dma_wait3A_211 = tpu.memref_squeeze %dma_wait3A_210 : memref<1x1x64xi32, #tpu.memory_space<vmem>> -> memref<64xi32, #tpu.memory_space<vmem>>
      %dma_wait3A_212 = tpu.memref_slice %arg3[%add3A_52] : memref<4096xi32, #tpu.memory_space<hbm>> -> memref<64xi32, #tpu.memory_space<hbm>>
      %dma_wait3A_213 = arith.constant 0 : i32
      %dma_wait3A_214 = tpu.memref_slice %arg9[%run_scoped3A_53, %run_scoped3A_54, %dma_wait3A_213] : memref<2x3x64xi32, #tpu.memory_space<vmem>> -> memref<1x1x64xi32, #tpu.memory_space<vmem>>
      %dma_wait3A_215 = tpu.memref_squeeze %dma_wait3A_214 : memref<1x1x64xi32, #tpu.memory_space<vmem>> -> memref<64xi32, #tpu.memory_space<vmem>>
      %dma_wait3A_216 = tpu.memref_slice %arg3[%add3A_52] : memref<4096xi32, #tpu.memory_space<hbm>> -> memref<64xi32, #tpu.memory_space<hbm>>
      tpu.wait_dma2 semaphore(%run_scoped3A_200 : memref<!tpu.dma_semaphore, #tpu.memory_space<semaphore_mem>>) src(%dma_wait3A_216 : memref<64xi32, #tpu.memory_space<hbm>>) dst(%dma_wait3A_215 : memref<64xi32, #tpu.memory_space<vmem>>)
      tpu.yield
    }) : () -> ()
    %dma_start3A_55 = arith.constant 1 : i32
    %dma_start3A_56 = arith.constant 0 : i32
    %dma_start3A_57 = arith.constant 1 : i32
    %dma_start3A_58 = arith.constant 0 : i32
    %dma_start3A_59 = arith.constant 0 : i32
    %dma_start3A_60 = arith.constant 0 : i32
    %dma_start3A_61 = tpu.memref_slice %arg10[%dma_start3A_57, %dma_start3A_58, %dma_start3A_59, %dma_start3A_60] : memref<2x3x64x256xf32, #tpu.memory_space<vmem>> -> memref<1x1x64x256xf32, #tpu.memory_space<vmem>>
    %dma_start3A_62 = tpu.memref_squeeze %dma_start3A_61 : memref<1x1x64x256xf32, #tpu.memory_space<vmem>> -> memref<64x256xf32, #tpu.memory_space<vmem>>
    %dma_start3A_63 = arith.constant 0 : i32
    %dma_start3A_64 = tpu.memref_slice %arg9[%dma_start3A_55, %dma_start3A_56, %dma_start3A_63] : memref<2x3x64xi32, #tpu.memory_space<vmem>> -> memref<1x1x64xi32, #tpu.memory_space<vmem>>
    %dma_start3A_65 = tpu.memref_squeeze %dma_start3A_64 : memref<1x1x64xi32, #tpu.memory_space<vmem>> -> memref<64xi32, #tpu.memory_space<vmem>>
    %dma_start3A_66 = arith.constant 0 : i32
    %dma_start3A_67 = arith.constant 0 : i32
    %dma_start3A_68 = tpu.memref_slice %arg2[%dma_start3A_66, %dma_start3A_67] : memref<4096x256xf32, #tpu.memory_space<hbm>> -> memref<4096x256xf32, #tpu.memory_space<hbm>>
    tpu.enqueue_indirect_dma source(%dma_start3A_68 : memref<4096x256xf32, #tpu.memory_space<hbm>>) target(%dma_start3A_62 : memref<64x256xf32, #tpu.memory_space<vmem>>) offsets(%dma_start3A_65 : memref<64xi32, #tpu.memory_space<vmem>>) semaphore(%arg14 : memref<!tpu.dma_semaphore, #tpu.memory_space<semaphore_mem>>)
    %run_scoped3A_69 = arith.constant 1 : i32
    %run_scoped3A_70 = arith.constant 1 : i32
    "tpu.region"() ({
      %run_scoped3A_200 = tpu.sem_alloc : memref<!tpu.dma_semaphore, #tpu.memory_space<semaphore_mem>>
      %dma_start3A_201 = arith.constant 0 : i32
      %dma_start3A_202 = tpu.memref_slice %arg9[%run_scoped3A_69, %run_scoped3A_70, %dma_start3A_201] : memref<2x3x64xi32, #tpu.memory_space<vmem>> -> memref<1x1x64xi32, #tpu.memory_space<vmem>>
      %dma_start3A_203 = tpu.memref_squeeze %dma_start3A_202 : memref<1x1x64xi32, #tpu.memory_space<vmem>> -> memref<64xi32, #tpu.memory_space<vmem>>
      %dma_start3A_204 = tpu.memref_slice %arg4[%add3A_52] : memref<4096xi32, #tpu.memory_space<hbm>> -> memref<64xi32, #tpu.memory_space<hbm>>
      %dma_start3A_205 = arith.constant 0 : i32
      %dma_start3A_206 = tpu.memref_slice %arg9[%run_scoped3A_69, %run_scoped3A_70, %dma_start3A_205] : memref<2x3x64xi32, #tpu.memory_space<vmem>> -> memref<1x1x64xi32, #tpu.memory_space<vmem>>
      %dma_start3A_207 = tpu.memref_squeeze %dma_start3A_206 : memref<1x1x64xi32, #tpu.memory_space<vmem>> -> memref<64xi32, #tpu.memory_space<vmem>>
      %dma_start3A_208 = tpu.memref_slice %arg4[%add3A_52] : memref<4096xi32, #tpu.memory_space<hbm>> -> memref<64xi32, #tpu.memory_space<hbm>>
      tpu.enqueue_dma source(%dma_start3A_208 : memref<64xi32, #tpu.memory_space<hbm>>) target(%dma_start3A_207 : memref<64xi32, #tpu.memory_space<vmem>>) target_semaphore(%run_scoped3A_200 : memref<!tpu.dma_semaphore, #tpu.memory_space<semaphore_mem>>)
      %dma_wait3A_209 = arith.constant 0 : i32
      %dma_wait3A_210 = tpu.memref_slice %arg9[%run_scoped3A_69, %run_scoped3A_70, %dma_wait3A_209] : memref<2x3x64xi32, #tpu.memory_space<vmem>> -> memref<1x1x64xi32, #tpu.memory_space<vmem>>
      %dma_wait3A_211 = tpu.memref_squeeze %dma_wait3A_210 : memref<1x1x64xi32, #tpu.memory_space<vmem>> -> memref<64xi32, #tpu.memory_space<vmem>>
      %dma_wait3A_212 = tpu.memref_slice %arg4[%add3A_52] : memref<4096xi32, #tpu.memory_space<hbm>> -> memref<64xi32, #tpu.memory_space<hbm>>
      %dma_wait3A_213 = arith.constant 0 : i32
      %dma_wait3A_214 = tpu.memref_slice %arg9[%run_scoped3A_69, %run_scoped3A_70, %dma_wait3A_213] : memref<2x3x64xi32, #tpu.memory_space<vmem>> -> memref<1x1x64xi32, #tpu.memory_space<vmem>>
      %dma_wait3A_215 = tpu.memref_squeeze %dma_wait3A_214 : memref<1x1x64xi32, #tpu.memory_space<vmem>> -> memref<64xi32, #tpu.memory_space<vmem>>
      %dma_wait3A_216 = tpu.memref_slice %arg4[%add3A_52] : memref<4096xi32, #tpu.memory_space<hbm>> -> memref<64xi32, #tpu.memory_space<hbm>>
      tpu.wait_dma2 semaphore(%run_scoped3A_200 : memref<!tpu.dma_semaphore, #tpu.memory_space<semaphore_mem>>) src(%dma_wait3A_216 : memref<64xi32, #tpu.memory_space<hbm>>) dst(%dma_wait3A_215 : memref<64xi32, #tpu.memory_space<vmem>>)
      tpu.yield
    }) : () -> ()
    %dma_start3A_71 = arith.constant 1 : i32
    %dma_start3A_72 = arith.constant 1 : i32
    %dma_start3A_73 = arith.constant 1 : i32
    %dma_start3A_74 = arith.constant 1 : i32
    %dma_start3A_75 = arith.constant 0 : i32
    %dma_start3A_76 = arith.constant 0 : i32
    %dma_start3A_77 = tpu.memref_slice %arg10[%dma_start3A_73, %dma_start3A_74, %dma_start3A_75, %dma_start3A_76] : memref<2x3x64x256xf32, #tpu.memory_space<vmem>> -> memref<1x1x64x256xf32, #tpu.memory_space<vmem>>
    %dma_start3A_78 = tpu.memref_squeeze %dma_start3A_77 : memref<1x1x64x256xf32, #tpu.memory_space<vmem>> -> memref<64x256xf32, #tpu.memory_space<vmem>>
    %dma_start3A_79 = arith.constant 0 : i32
    %dma_start3A_80 = tpu.memref_slice %arg9[%dma_start3A_71, %dma_start3A_72, %dma_start3A_79] : memref<2x3x64xi32, #tpu.memory_space<vmem>> -> memref<1x1x64xi32, #tpu.memory_space<vmem>>
    %dma_start3A_81 = tpu.memref_squeeze %dma_start3A_80 : memref<1x1x64xi32, #tpu.memory_space<vmem>> -> memref<64xi32, #tpu.memory_space<vmem>>
    %dma_start3A_82 = arith.constant 0 : i32
    %dma_start3A_83 = arith.constant 0 : i32
    %dma_start3A_84 = tpu.memref_slice %arg2[%dma_start3A_82, %dma_start3A_83] : memref<4096x256xf32, #tpu.memory_space<hbm>> -> memref<4096x256xf32, #tpu.memory_space<hbm>>
    tpu.enqueue_indirect_dma source(%dma_start3A_84 : memref<4096x256xf32, #tpu.memory_space<hbm>>) target(%dma_start3A_78 : memref<64x256xf32, #tpu.memory_space<vmem>>) offsets(%dma_start3A_81 : memref<64xi32, #tpu.memory_space<vmem>>) semaphore(%arg15 : memref<!tpu.dma_semaphore, #tpu.memory_space<semaphore_mem>>)
    %run_scoped3A_85 = arith.constant 1 : i32
    %run_scoped3A_86 = arith.constant 2 : i32
    "tpu.region"() ({
      %run_scoped3A_200 = tpu.sem_alloc : memref<!tpu.dma_semaphore, #tpu.memory_space<semaphore_mem>>
      %dma_start3A_201 = arith.constant 0 : i32
      %dma_start3A_202 = tpu.memref_slice %arg9[%run_scoped3A_85, %run_scoped3A_86, %dma_start3A_201] : memref<2x3x64xi32, #tpu.memory_space<vmem>> -> memref<1x1x64xi32, #tpu.memory_space<vmem>>
      %dma_start3A_203 = tpu.memref_squeeze %dma_start3A_202 : memref<1x1x64xi32, #tpu.memory_space<vmem>> -> memref<64xi32, #tpu.memory_space<vmem>>
      %dma_start3A_204 = tpu.memref_slice %arg5[%add3A_52] : memref<4096xi32, #tpu.memory_space<hbm>> -> memref<64xi32, #tpu.memory_space<hbm>>
      %dma_start3A_205 = arith.constant 0 : i32
      %dma_start3A_206 = tpu.memref_slice %arg9[%run_scoped3A_85, %run_scoped3A_86, %dma_start3A_205] : memref<2x3x64xi32, #tpu.memory_space<vmem>> -> memref<1x1x64xi32, #tpu.memory_space<vmem>>
      %dma_start3A_207 = tpu.memref_squeeze %dma_start3A_206 : memref<1x1x64xi32, #tpu.memory_space<vmem>> -> memref<64xi32, #tpu.memory_space<vmem>>
      %dma_start3A_208 = tpu.memref_slice %arg5[%add3A_52] : memref<4096xi32, #tpu.memory_space<hbm>> -> memref<64xi32, #tpu.memory_space<hbm>>
      tpu.enqueue_dma source(%dma_start3A_208 : memref<64xi32, #tpu.memory_space<hbm>>) target(%dma_start3A_207 : memref<64xi32, #tpu.memory_space<vmem>>) target_semaphore(%run_scoped3A_200 : memref<!tpu.dma_semaphore, #tpu.memory_space<semaphore_mem>>)
      %dma_wait3A_209 = arith.constant 0 : i32
      %dma_wait3A_210 = tpu.memref_slice %arg9[%run_scoped3A_85, %run_scoped3A_86, %dma_wait3A_209] : memref<2x3x64xi32, #tpu.memory_space<vmem>> -> memref<1x1x64xi32, #tpu.memory_space<vmem>>
      %dma_wait3A_211 = tpu.memref_squeeze %dma_wait3A_210 : memref<1x1x64xi32, #tpu.memory_space<vmem>> -> memref<64xi32, #tpu.memory_space<vmem>>
      %dma_wait3A_212 = tpu.memref_slice %arg5[%add3A_52] : memref<4096xi32, #tpu.memory_space<hbm>> -> memref<64xi32, #tpu.memory_space<hbm>>
      %dma_wait3A_213 = arith.constant 0 : i32
      %dma_wait3A_214 = tpu.memref_slice %arg9[%run_scoped3A_85, %run_scoped3A_86, %dma_wait3A_213] : memref<2x3x64xi32, #tpu.memory_space<vmem>> -> memref<1x1x64xi32, #tpu.memory_space<vmem>>
      %dma_wait3A_215 = tpu.memref_squeeze %dma_wait3A_214 : memref<1x1x64xi32, #tpu.memory_space<vmem>> -> memref<64xi32, #tpu.memory_space<vmem>>
      %dma_wait3A_216 = tpu.memref_slice %arg5[%add3A_52] : memref<4096xi32, #tpu.memory_space<hbm>> -> memref<64xi32, #tpu.memory_space<hbm>>
      tpu.wait_dma2 semaphore(%run_scoped3A_200 : memref<!tpu.dma_semaphore, #tpu.memory_space<semaphore_mem>>) src(%dma_wait3A_216 : memref<64xi32, #tpu.memory_space<hbm>>) dst(%dma_wait3A_215 : memref<64xi32, #tpu.memory_space<vmem>>)
      tpu.yield
    }) : () -> ()
    %dma_start3A_87 = arith.constant 1 : i32
    %dma_start3A_88 = arith.constant 2 : i32
    %dma_start3A_89 = arith.constant 1 : i32
    %dma_start3A_90 = arith.constant 2 : i32
    %dma_start3A_91 = arith.constant 0 : i32
    %dma_start3A_92 = arith.constant 0 : i32
    %dma_start3A_93 = tpu.memref_slice %arg10[%dma_start3A_89, %dma_start3A_90, %dma_start3A_91, %dma_start3A_92] : memref<2x3x64x256xf32, #tpu.memory_space<vmem>> -> memref<1x1x64x256xf32, #tpu.memory_space<vmem>>
    %dma_start3A_94 = tpu.memref_squeeze %dma_start3A_93 : memref<1x1x64x256xf32, #tpu.memory_space<vmem>> -> memref<64x256xf32, #tpu.memory_space<vmem>>
    %dma_start3A_95 = arith.constant 0 : i32
    %dma_start3A_96 = tpu.memref_slice %arg9[%dma_start3A_87, %dma_start3A_88, %dma_start3A_95] : memref<2x3x64xi32, #tpu.memory_space<vmem>> -> memref<1x1x64xi32, #tpu.memory_space<vmem>>
    %dma_start3A_97 = tpu.memref_squeeze %dma_start3A_96 : memref<1x1x64xi32, #tpu.memory_space<vmem>> -> memref<64xi32, #tpu.memory_space<vmem>>
    %dma_start3A_98 = arith.constant 0 : i32
    %dma_start3A_99 = arith.constant 0 : i32
    %dma_start3A_100 = tpu.memref_slice %arg2[%dma_start3A_98, %dma_start3A_99] : memref<4096x256xf32, #tpu.memory_space<hbm>> -> memref<4096x256xf32, #tpu.memory_space<hbm>>
    tpu.enqueue_indirect_dma source(%dma_start3A_100 : memref<4096x256xf32, #tpu.memory_space<hbm>>) target(%dma_start3A_94 : memref<64x256xf32, #tpu.memory_space<vmem>>) offsets(%dma_start3A_97 : memref<64xi32, #tpu.memory_space<vmem>>) semaphore(%arg16 : memref<!tpu.dma_semaphore, #tpu.memory_space<semaphore_mem>>)
    %add3A_101 = arith.constant 0 : i32
    %add3A_102 = arith.addi %mul3A_2, %add3A_101 : i32
    %dma_wait3A = arith.constant 0 : i32
    %dma_wait3A_103 = arith.constant 0 : i32
    %dma_wait3A_104 = arith.constant 0 : i32
    %dma_wait3A_105 = arith.constant 0 : i32
    %dma_wait3A_106 = arith.constant 0 : i32
    %dma_wait3A_107 = arith.constant 0 : i32
    %dma_wait3A_108 = tpu.memref_slice %arg10[%dma_wait3A_104, %dma_wait3A_105, %dma_wait3A_106, %dma_wait3A_107] : memref<2x3x64x256xf32, #tpu.memory_space<vmem>> -> memref<1x1x64x256xf32, #tpu.memory_space<vmem>>
    %dma_wait3A_109 = tpu.memref_squeeze %dma_wait3A_108 : memref<1x1x64x256xf32, #tpu.memory_space<vmem>> -> memref<64x256xf32, #tpu.memory_space<vmem>>
    %dma_wait3A_110 = arith.constant 0 : i32
    %dma_wait3A_111 = tpu.memref_slice %arg9[%dma_wait3A, %dma_wait3A_103, %dma_wait3A_110] : memref<2x3x64xi32, #tpu.memory_space<vmem>> -> memref<1x1x64xi32, #tpu.memory_space<vmem>>
    %dma_wait3A_112 = tpu.memref_squeeze %dma_wait3A_111 : memref<1x1x64xi32, #tpu.memory_space<vmem>> -> memref<64xi32, #tpu.memory_space<vmem>>
    %dma_wait3A_113 = arith.constant 0 : i32
    %dma_wait3A_114 = arith.constant 0 : i32
    %dma_wait3A_115 = tpu.memref_slice %arg2[%dma_wait3A_113, %dma_wait3A_114] : memref<4096x256xf32, #tpu.memory_space<hbm>> -> memref<4096x256xf32, #tpu.memory_space<hbm>>
    tpu.wait_indirect_dma semaphore(%arg11 : memref<!tpu.dma_semaphore, #tpu.memory_space<semaphore_mem>>) src(%dma_wait3A_115 : memref<4096x256xf32, #tpu.memory_space<hbm>>) dst(%dma_wait3A_109 : memref<64x256xf32, #tpu.memory_space<vmem>>)
    %run_scoped3A_116 = arith.constant 0 : i32
    %run_scoped3A_117 = arith.constant 0 : i32
    "tpu.region"() ({
      %run_scoped3A_200 = tpu.sem_alloc : memref<!tpu.dma_semaphore, #tpu.memory_space<semaphore_mem>>
      %dma_start3A_201 = arith.constant 0 : i32
      %dma_start3A_202 = arith.constant 0 : i32
      %dma_start3A_203 = tpu.memref_slice %arg10[%run_scoped3A_116, %run_scoped3A_117, %dma_start3A_201, %dma_start3A_202] : memref<2x3x64x256xf32, #tpu.memory_space<vmem>> -> memref<1x1x64x256xf32, #tpu.memory_space<vmem>>
      %dma_start3A_204 = tpu.memref_squeeze %dma_start3A_203 : memref<1x1x64x256xf32, #tpu.memory_space<vmem>> -> memref<64x256xf32, #tpu.memory_space<vmem>>
      %dma_start3A_205 = arith.constant 0 : i32
      %dma_start3A_206 = tpu.memref_slice %arg6[%add3A_102, %dma_start3A_205] : memref<4096x256xf32, #tpu.memory_space<hbm>> -> memref<64x256xf32, #tpu.memory_space<hbm>>
      %dma_start3A_207 = arith.constant 0 : i32
      %dma_start3A_208 = tpu.memref_slice %arg6[%add3A_102, %dma_start3A_207] : memref<4096x256xf32, #tpu.memory_space<hbm>> -> memref<64x256xf32, #tpu.memory_space<hbm>>
      %dma_start3A_209 = arith.constant 0 : i32
      %dma_start3A_210 = arith.constant 0 : i32
      %dma_start3A_211 = tpu.memref_slice %arg10[%run_scoped3A_116, %run_scoped3A_117, %dma_start3A_209, %dma_start3A_210] : memref<2x3x64x256xf32, #tpu.memory_space<vmem>> -> memref<1x1x64x256xf32, #tpu.memory_space<vmem>>
      %dma_start3A_212 = tpu.memref_squeeze %dma_start3A_211 : memref<1x1x64x256xf32, #tpu.memory_space<vmem>> -> memref<64x256xf32, #tpu.memory_space<vmem>>
      tpu.enqueue_dma source(%dma_start3A_212 : memref<64x256xf32, #tpu.memory_space<vmem>>) target(%dma_start3A_208 : memref<64x256xf32, #tpu.memory_space<hbm>>) target_semaphore(%run_scoped3A_200 : memref<!tpu.dma_semaphore, #tpu.memory_space<semaphore_mem>>)
      %dma_wait3A_213 = arith.constant 0 : i32
      %dma_wait3A_214 = arith.constant 0 : i32
      %dma_wait3A_215 = tpu.memref_slice %arg10[%run_scoped3A_116, %run_scoped3A_117, %dma_wait3A_213, %dma_wait3A_214] : memref<2x3x64x256xf32, #tpu.memory_space<vmem>> -> memref<1x1x64x256xf32, #tpu.memory_space<vmem>>
      %dma_wait3A_216 = tpu.memref_squeeze %dma_wait3A_215 : memref<1x1x64x256xf32, #tpu.memory_space<vmem>> -> memref<64x256xf32, #tpu.memory_space<vmem>>
      %dma_wait3A_217 = arith.constant 0 : i32
      %dma_wait3A_218 = tpu.memref_slice %arg6[%add3A_102, %dma_wait3A_217] : memref<4096x256xf32, #tpu.memory_space<hbm>> -> memref<64x256xf32, #tpu.memory_space<hbm>>
      %dma_wait3A_219 = arith.constant 0 : i32
      %dma_wait3A_220 = tpu.memref_slice %arg6[%add3A_102, %dma_wait3A_219] : memref<4096x256xf32, #tpu.memory_space<hbm>> -> memref<64x256xf32, #tpu.memory_space<hbm>>
      %dma_wait3A_221 = arith.constant 0 : i32
      %dma_wait3A_222 = arith.constant 0 : i32
      %dma_wait3A_223 = tpu.memref_slice %arg10[%run_scoped3A_116, %run_scoped3A_117, %dma_wait3A_221, %dma_wait3A_222] : memref<2x3x64x256xf32, #tpu.memory_space<vmem>> -> memref<1x1x64x256xf32, #tpu.memory_space<vmem>>
      %dma_wait3A_224 = tpu.memref_squeeze %dma_wait3A_223 : memref<1x1x64x256xf32, #tpu.memory_space<vmem>> -> memref<64x256xf32, #tpu.memory_space<vmem>>
      tpu.wait_dma2 semaphore(%run_scoped3A_200 : memref<!tpu.dma_semaphore, #tpu.memory_space<semaphore_mem>>) src(%dma_wait3A_224 : memref<64x256xf32, #tpu.memory_space<vmem>>) dst(%dma_wait3A_220 : memref<64x256xf32, #tpu.memory_space<hbm>>)
      tpu.yield
    }) : () -> ()
    %dma_wait3A_118 = arith.constant 0 : i32
    %dma_wait3A_119 = arith.constant 1 : i32
    %dma_wait3A_120 = arith.constant 0 : i32
    %dma_wait3A_121 = arith.constant 1 : i32
    %dma_wait3A_122 = arith.constant 0 : i32
    %dma_wait3A_123 = arith.constant 0 : i32
    %dma_wait3A_124 = tpu.memref_slice %arg10[%dma_wait3A_120, %dma_wait3A_121, %dma_wait3A_122, %dma_wait3A_123] : memref<2x3x64x256xf32, #tpu.memory_space<vmem>> -> memref<1x1x64x256xf32, #tpu.memory_space<vmem>>
    %dma_wait3A_125 = tpu.memref_squeeze %dma_wait3A_124 : memref<1x1x64x256xf32, #tpu.memory_space<vmem>> -> memref<64x256xf32, #tpu.memory_space<vmem>>
    %dma_wait3A_126 = arith.constant 0 : i32
    %dma_wait3A_127 = tpu.memref_slice %arg9[%dma_wait3A_118, %dma_wait3A_119, %dma_wait3A_126] : memref<2x3x64xi32, #tpu.memory_space<vmem>> -> memref<1x1x64xi32, #tpu.memory_space<vmem>>
    %dma_wait3A_128 = tpu.memref_squeeze %dma_wait3A_127 : memref<1x1x64xi32, #tpu.memory_space<vmem>> -> memref<64xi32, #tpu.memory_space<vmem>>
    %dma_wait3A_129 = arith.constant 0 : i32
    %dma_wait3A_130 = arith.constant 0 : i32
    %dma_wait3A_131 = tpu.memref_slice %arg2[%dma_wait3A_129, %dma_wait3A_130] : memref<4096x256xf32, #tpu.memory_space<hbm>> -> memref<4096x256xf32, #tpu.memory_space<hbm>>
    tpu.wait_indirect_dma semaphore(%arg12 : memref<!tpu.dma_semaphore, #tpu.memory_space<semaphore_mem>>) src(%dma_wait3A_131 : memref<4096x256xf32, #tpu.memory_space<hbm>>) dst(%dma_wait3A_125 : memref<64x256xf32, #tpu.memory_space<vmem>>)
    %run_scoped3A_132 = arith.constant 0 : i32
    %run_scoped3A_133 = arith.constant 1 : i32
    "tpu.region"() ({
      %run_scoped3A_200 = tpu.sem_alloc : memref<!tpu.dma_semaphore, #tpu.memory_space<semaphore_mem>>
      %dma_start3A_201 = arith.constant 0 : i32
      %dma_start3A_202 = arith.constant 0 : i32
      %dma_start3A_203 = tpu.memref_slice %arg10[%run_scoped3A_132, %run_scoped3A_133, %dma_start3A_201, %dma_start3A_202] : memref<2x3x64x256xf32, #tpu.memory_space<vmem>> -> memref<1x1x64x256xf32, #tpu.memory_space<vmem>>
      %dma_start3A_204 = tpu.memref_squeeze %dma_start3A_203 : memref<1x1x64x256xf32, #tpu.memory_space<vmem>> -> memref<64x256xf32, #tpu.memory_space<vmem>>
      %dma_start3A_205 = arith.constant 0 : i32
      %dma_start3A_206 = tpu.memref_slice %arg7[%add3A_102, %dma_start3A_205] : memref<4096x256xf32, #tpu.memory_space<hbm>> -> memref<64x256xf32, #tpu.memory_space<hbm>>
      %dma_start3A_207 = arith.constant 0 : i32
      %dma_start3A_208 = tpu.memref_slice %arg7[%add3A_102, %dma_start3A_207] : memref<4096x256xf32, #tpu.memory_space<hbm>> -> memref<64x256xf32, #tpu.memory_space<hbm>>
      %dma_start3A_209 = arith.constant 0 : i32
      %dma_start3A_210 = arith.constant 0 : i32
      %dma_start3A_211 = tpu.memref_slice %arg10[%run_scoped3A_132, %run_scoped3A_133, %dma_start3A_209, %dma_start3A_210] : memref<2x3x64x256xf32, #tpu.memory_space<vmem>> -> memref<1x1x64x256xf32, #tpu.memory_space<vmem>>
      %dma_start3A_212 = tpu.memref_squeeze %dma_start3A_211 : memref<1x1x64x256xf32, #tpu.memory_space<vmem>> -> memref<64x256xf32, #tpu.memory_space<vmem>>
      tpu.enqueue_dma source(%dma_start3A_212 : memref<64x256xf32, #tpu.memory_space<vmem>>) target(%dma_start3A_208 : memref<64x256xf32, #tpu.memory_space<hbm>>) target_semaphore(%run_scoped3A_200 : memref<!tpu.dma_semaphore, #tpu.memory_space<semaphore_mem>>)
      %dma_wait3A_213 = arith.constant 0 : i32
      %dma_wait3A_214 = arith.constant 0 : i32
      %dma_wait3A_215 = tpu.memref_slice %arg10[%run_scoped3A_132, %run_scoped3A_133, %dma_wait3A_213, %dma_wait3A_214] : memref<2x3x64x256xf32, #tpu.memory_space<vmem>> -> memref<1x1x64x256xf32, #tpu.memory_space<vmem>>
      %dma_wait3A_216 = tpu.memref_squeeze %dma_wait3A_215 : memref<1x1x64x256xf32, #tpu.memory_space<vmem>> -> memref<64x256xf32, #tpu.memory_space<vmem>>
      %dma_wait3A_217 = arith.constant 0 : i32
      %dma_wait3A_218 = tpu.memref_slice %arg7[%add3A_102, %dma_wait3A_217] : memref<4096x256xf32, #tpu.memory_space<hbm>> -> memref<64x256xf32, #tpu.memory_space<hbm>>
      %dma_wait3A_219 = arith.constant 0 : i32
      %dma_wait3A_220 = tpu.memref_slice %arg7[%add3A_102, %dma_wait3A_219] : memref<4096x256xf32, #tpu.memory_space<hbm>> -> memref<64x256xf32, #tpu.memory_space<hbm>>
      %dma_wait3A_221 = arith.constant 0 : i32
      %dma_wait3A_222 = arith.constant 0 : i32
      %dma_wait3A_223 = tpu.memref_slice %arg10[%run_scoped3A_132, %run_scoped3A_133, %dma_wait3A_221, %dma_wait3A_222] : memref<2x3x64x256xf32, #tpu.memory_space<vmem>> -> memref<1x1x64x256xf32, #tpu.memory_space<vmem>>
      %dma_wait3A_224 = tpu.memref_squeeze %dma_wait3A_223 : memref<1x1x64x256xf32, #tpu.memory_space<vmem>> -> memref<64x256xf32, #tpu.memory_space<vmem>>
      tpu.wait_dma2 semaphore(%run_scoped3A_200 : memref<!tpu.dma_semaphore, #tpu.memory_space<semaphore_mem>>) src(%dma_wait3A_224 : memref<64x256xf32, #tpu.memory_space<vmem>>) dst(%dma_wait3A_220 : memref<64x256xf32, #tpu.memory_space<hbm>>)
      tpu.yield
    }) : () -> ()
    %dma_wait3A_134 = arith.constant 0 : i32
    %dma_wait3A_135 = arith.constant 2 : i32
    %dma_wait3A_136 = arith.constant 0 : i32
    %dma_wait3A_137 = arith.constant 2 : i32
    %dma_wait3A_138 = arith.constant 0 : i32
    %dma_wait3A_139 = arith.constant 0 : i32
    %dma_wait3A_140 = tpu.memref_slice %arg10[%dma_wait3A_136, %dma_wait3A_137, %dma_wait3A_138, %dma_wait3A_139] : memref<2x3x64x256xf32, #tpu.memory_space<vmem>> -> memref<1x1x64x256xf32, #tpu.memory_space<vmem>>
    %dma_wait3A_141 = tpu.memref_squeeze %dma_wait3A_140 : memref<1x1x64x256xf32, #tpu.memory_space<vmem>> -> memref<64x256xf32, #tpu.memory_space<vmem>>
    %dma_wait3A_142 = arith.constant 0 : i32
    %dma_wait3A_143 = tpu.memref_slice %arg9[%dma_wait3A_134, %dma_wait3A_135, %dma_wait3A_142] : memref<2x3x64xi32, #tpu.memory_space<vmem>> -> memref<1x1x64xi32, #tpu.memory_space<vmem>>
    %dma_wait3A_144 = tpu.memref_squeeze %dma_wait3A_143 : memref<1x1x64xi32, #tpu.memory_space<vmem>> -> memref<64xi32, #tpu.memory_space<vmem>>
    %dma_wait3A_145 = arith.constant 0 : i32
    %dma_wait3A_146 = arith.constant 0 : i32
    %dma_wait3A_147 = tpu.memref_slice %arg2[%dma_wait3A_145, %dma_wait3A_146] : memref<4096x256xf32, #tpu.memory_space<hbm>> -> memref<4096x256xf32, #tpu.memory_space<hbm>>
    tpu.wait_indirect_dma semaphore(%arg13 : memref<!tpu.dma_semaphore, #tpu.memory_space<semaphore_mem>>) src(%dma_wait3A_147 : memref<4096x256xf32, #tpu.memory_space<hbm>>) dst(%dma_wait3A_141 : memref<64x256xf32, #tpu.memory_space<vmem>>)
    %run_scoped3A_148 = arith.constant 0 : i32
    %run_scoped3A_149 = arith.constant 2 : i32
    "tpu.region"() ({
      %run_scoped3A_200 = tpu.sem_alloc : memref<!tpu.dma_semaphore, #tpu.memory_space<semaphore_mem>>
      %dma_start3A_201 = arith.constant 0 : i32
      %dma_start3A_202 = arith.constant 0 : i32
      %dma_start3A_203 = tpu.memref_slice %arg10[%run_scoped3A_148, %run_scoped3A_149, %dma_start3A_201, %dma_start3A_202] : memref<2x3x64x256xf32, #tpu.memory_space<vmem>> -> memref<1x1x64x256xf32, #tpu.memory_space<vmem>>
      %dma_start3A_204 = tpu.memref_squeeze %dma_start3A_203 : memref<1x1x64x256xf32, #tpu.memory_space<vmem>> -> memref<64x256xf32, #tpu.memory_space<vmem>>
      %dma_start3A_205 = arith.constant 0 : i32
      %dma_start3A_206 = tpu.memref_slice %arg8[%add3A_102, %dma_start3A_205] : memref<4096x256xf32, #tpu.memory_space<hbm>> -> memref<64x256xf32, #tpu.memory_space<hbm>>
      %dma_start3A_207 = arith.constant 0 : i32
      %dma_start3A_208 = tpu.memref_slice %arg8[%add3A_102, %dma_start3A_207] : memref<4096x256xf32, #tpu.memory_space<hbm>> -> memref<64x256xf32, #tpu.memory_space<hbm>>
      %dma_start3A_209 = arith.constant 0 : i32
      %dma_start3A_210 = arith.constant 0 : i32
      %dma_start3A_211 = tpu.memref_slice %arg10[%run_scoped3A_148, %run_scoped3A_149, %dma_start3A_209, %dma_start3A_210] : memref<2x3x64x256xf32, #tpu.memory_space<vmem>> -> memref<1x1x64x256xf32, #tpu.memory_space<vmem>>
      %dma_start3A_212 = tpu.memref_squeeze %dma_start3A_211 : memref<1x1x64x256xf32, #tpu.memory_space<vmem>> -> memref<64x256xf32, #tpu.memory_space<vmem>>
      tpu.enqueue_dma source(%dma_start3A_212 : memref<64x256xf32, #tpu.memory_space<vmem>>) target(%dma_start3A_208 : memref<64x256xf32, #tpu.memory_space<hbm>>) target_semaphore(%run_scoped3A_200 : memref<!tpu.dma_semaphore, #tpu.memory_space<semaphore_mem>>)
      %dma_wait3A_213 = arith.constant 0 : i32
      %dma_wait3A_214 = arith.constant 0 : i32
      %dma_wait3A_215 = tpu.memref_slice %arg10[%run_scoped3A_148, %run_scoped3A_149, %dma_wait3A_213, %dma_wait3A_214] : memref<2x3x64x256xf32, #tpu.memory_space<vmem>> -> memref<1x1x64x256xf32, #tpu.memory_space<vmem>>
      %dma_wait3A_216 = tpu.memref_squeeze %dma_wait3A_215 : memref<1x1x64x256xf32, #tpu.memory_space<vmem>> -> memref<64x256xf32, #tpu.memory_space<vmem>>
      %dma_wait3A_217 = arith.constant 0 : i32
      %dma_wait3A_218 = tpu.memref_slice %arg8[%add3A_102, %dma_wait3A_217] : memref<4096x256xf32, #tpu.memory_space<hbm>> -> memref<64x256xf32, #tpu.memory_space<hbm>>
      %dma_wait3A_219 = arith.constant 0 : i32
      %dma_wait3A_220 = tpu.memref_slice %arg8[%add3A_102, %dma_wait3A_219] : memref<4096x256xf32, #tpu.memory_space<hbm>> -> memref<64x256xf32, #tpu.memory_space<hbm>>
      %dma_wait3A_221 = arith.constant 0 : i32
      %dma_wait3A_222 = arith.constant 0 : i32
      %dma_wait3A_223 = tpu.memref_slice %arg10[%run_scoped3A_148, %run_scoped3A_149, %dma_wait3A_221, %dma_wait3A_222] : memref<2x3x64x256xf32, #tpu.memory_space<vmem>> -> memref<1x1x64x256xf32, #tpu.memory_space<vmem>>
      %dma_wait3A_224 = tpu.memref_squeeze %dma_wait3A_223 : memref<1x1x64x256xf32, #tpu.memory_space<vmem>> -> memref<64x256xf32, #tpu.memory_space<vmem>>
      tpu.wait_dma2 semaphore(%run_scoped3A_200 : memref<!tpu.dma_semaphore, #tpu.memory_space<semaphore_mem>>) src(%dma_wait3A_224 : memref<64x256xf32, #tpu.memory_space<vmem>>) dst(%dma_wait3A_220 : memref<64x256xf32, #tpu.memory_space<hbm>>)
      tpu.yield
    }) : () -> ()
    %add3A_150 = arith.constant 64 : i32
    %add3A_151 = arith.addi %mul3A_2, %add3A_150 : i32
    %dma_wait3A_152 = arith.constant 1 : i32
    %dma_wait3A_153 = arith.constant 0 : i32
    %dma_wait3A_154 = arith.constant 1 : i32
    %dma_wait3A_155 = arith.constant 0 : i32
    %dma_wait3A_156 = arith.constant 0 : i32
    %dma_wait3A_157 = arith.constant 0 : i32
    %dma_wait3A_158 = tpu.memref_slice %arg10[%dma_wait3A_154, %dma_wait3A_155, %dma_wait3A_156, %dma_wait3A_157] : memref<2x3x64x256xf32, #tpu.memory_space<vmem>> -> memref<1x1x64x256xf32, #tpu.memory_space<vmem>>
    %dma_wait3A_159 = tpu.memref_squeeze %dma_wait3A_158 : memref<1x1x64x256xf32, #tpu.memory_space<vmem>> -> memref<64x256xf32, #tpu.memory_space<vmem>>
    %dma_wait3A_160 = arith.constant 0 : i32
    %dma_wait3A_161 = tpu.memref_slice %arg9[%dma_wait3A_152, %dma_wait3A_153, %dma_wait3A_160] : memref<2x3x64xi32, #tpu.memory_space<vmem>> -> memref<1x1x64xi32, #tpu.memory_space<vmem>>
    %dma_wait3A_162 = tpu.memref_squeeze %dma_wait3A_161 : memref<1x1x64xi32, #tpu.memory_space<vmem>> -> memref<64xi32, #tpu.memory_space<vmem>>
    %dma_wait3A_163 = arith.constant 0 : i32
    %dma_wait3A_164 = arith.constant 0 : i32
    %dma_wait3A_165 = tpu.memref_slice %arg2[%dma_wait3A_163, %dma_wait3A_164] : memref<4096x256xf32, #tpu.memory_space<hbm>> -> memref<4096x256xf32, #tpu.memory_space<hbm>>
    tpu.wait_indirect_dma semaphore(%arg14 : memref<!tpu.dma_semaphore, #tpu.memory_space<semaphore_mem>>) src(%dma_wait3A_165 : memref<4096x256xf32, #tpu.memory_space<hbm>>) dst(%dma_wait3A_159 : memref<64x256xf32, #tpu.memory_space<vmem>>)
    %run_scoped3A_166 = arith.constant 1 : i32
    %run_scoped3A_167 = arith.constant 0 : i32
    "tpu.region"() ({
      %run_scoped3A_200 = tpu.sem_alloc : memref<!tpu.dma_semaphore, #tpu.memory_space<semaphore_mem>>
      %dma_start3A_201 = arith.constant 0 : i32
      %dma_start3A_202 = arith.constant 0 : i32
      %dma_start3A_203 = tpu.memref_slice %arg10[%run_scoped3A_166, %run_scoped3A_167, %dma_start3A_201, %dma_start3A_202] : memref<2x3x64x256xf32, #tpu.memory_space<vmem>> -> memref<1x1x64x256xf32, #tpu.memory_space<vmem>>
      %dma_start3A_204 = tpu.memref_squeeze %dma_start3A_203 : memref<1x1x64x256xf32, #tpu.memory_space<vmem>> -> memref<64x256xf32, #tpu.memory_space<vmem>>
      %dma_start3A_205 = arith.constant 0 : i32
      %dma_start3A_206 = tpu.memref_slice %arg6[%add3A_151, %dma_start3A_205] : memref<4096x256xf32, #tpu.memory_space<hbm>> -> memref<64x256xf32, #tpu.memory_space<hbm>>
      %dma_start3A_207 = arith.constant 0 : i32
      %dma_start3A_208 = tpu.memref_slice %arg6[%add3A_151, %dma_start3A_207] : memref<4096x256xf32, #tpu.memory_space<hbm>> -> memref<64x256xf32, #tpu.memory_space<hbm>>
      %dma_start3A_209 = arith.constant 0 : i32
      %dma_start3A_210 = arith.constant 0 : i32
      %dma_start3A_211 = tpu.memref_slice %arg10[%run_scoped3A_166, %run_scoped3A_167, %dma_start3A_209, %dma_start3A_210] : memref<2x3x64x256xf32, #tpu.memory_space<vmem>> -> memref<1x1x64x256xf32, #tpu.memory_space<vmem>>
      %dma_start3A_212 = tpu.memref_squeeze %dma_start3A_211 : memref<1x1x64x256xf32, #tpu.memory_space<vmem>> -> memref<64x256xf32, #tpu.memory_space<vmem>>
      tpu.enqueue_dma source(%dma_start3A_212 : memref<64x256xf32, #tpu.memory_space<vmem>>) target(%dma_start3A_208 : memref<64x256xf32, #tpu.memory_space<hbm>>) target_semaphore(%run_scoped3A_200 : memref<!tpu.dma_semaphore, #tpu.memory_space<semaphore_mem>>)
      %dma_wait3A_213 = arith.constant 0 : i32
      %dma_wait3A_214 = arith.constant 0 : i32
      %dma_wait3A_215 = tpu.memref_slice %arg10[%run_scoped3A_166, %run_scoped3A_167, %dma_wait3A_213, %dma_wait3A_214] : memref<2x3x64x256xf32, #tpu.memory_space<vmem>> -> memref<1x1x64x256xf32, #tpu.memory_space<vmem>>
      %dma_wait3A_216 = tpu.memref_squeeze %dma_wait3A_215 : memref<1x1x64x256xf32, #tpu.memory_space<vmem>> -> memref<64x256xf32, #tpu.memory_space<vmem>>
      %dma_wait3A_217 = arith.constant 0 : i32
      %dma_wait3A_218 = tpu.memref_slice %arg6[%add3A_151, %dma_wait3A_217] : memref<4096x256xf32, #tpu.memory_space<hbm>> -> memref<64x256xf32, #tpu.memory_space<hbm>>
      %dma_wait3A_219 = arith.constant 0 : i32
      %dma_wait3A_220 = tpu.memref_slice %arg6[%add3A_151, %dma_wait3A_219] : memref<4096x256xf32, #tpu.memory_space<hbm>> -> memref<64x256xf32, #tpu.memory_space<hbm>>
      %dma_wait3A_221 = arith.constant 0 : i32
      %dma_wait3A_222 = arith.constant 0 : i32
      %dma_wait3A_223 = tpu.memref_slice %arg10[%run_scoped3A_166, %run_scoped3A_167, %dma_wait3A_221, %dma_wait3A_222] : memref<2x3x64x256xf32, #tpu.memory_space<vmem>> -> memref<1x1x64x256xf32, #tpu.memory_space<vmem>>
      %dma_wait3A_224 = tpu.memref_squeeze %dma_wait3A_223 : memref<1x1x64x256xf32, #tpu.memory_space<vmem>> -> memref<64x256xf32, #tpu.memory_space<vmem>>
      tpu.wait_dma2 semaphore(%run_scoped3A_200 : memref<!tpu.dma_semaphore, #tpu.memory_space<semaphore_mem>>) src(%dma_wait3A_224 : memref<64x256xf32, #tpu.memory_space<vmem>>) dst(%dma_wait3A_220 : memref<64x256xf32, #tpu.memory_space<hbm>>)
      tpu.yield
    }) : () -> ()
    %dma_wait3A_168 = arith.constant 1 : i32
    %dma_wait3A_169 = arith.constant 1 : i32
    %dma_wait3A_170 = arith.constant 1 : i32
    %dma_wait3A_171 = arith.constant 1 : i32
    %dma_wait3A_172 = arith.constant 0 : i32
    %dma_wait3A_173 = arith.constant 0 : i32
    %dma_wait3A_174 = tpu.memref_slice %arg10[%dma_wait3A_170, %dma_wait3A_171, %dma_wait3A_172, %dma_wait3A_173] : memref<2x3x64x256xf32, #tpu.memory_space<vmem>> -> memref<1x1x64x256xf32, #tpu.memory_space<vmem>>
    %dma_wait3A_175 = tpu.memref_squeeze %dma_wait3A_174 : memref<1x1x64x256xf32, #tpu.memory_space<vmem>> -> memref<64x256xf32, #tpu.memory_space<vmem>>
    %dma_wait3A_176 = arith.constant 0 : i32
    %dma_wait3A_177 = tpu.memref_slice %arg9[%dma_wait3A_168, %dma_wait3A_169, %dma_wait3A_176] : memref<2x3x64xi32, #tpu.memory_space<vmem>> -> memref<1x1x64xi32, #tpu.memory_space<vmem>>
    %dma_wait3A_178 = tpu.memref_squeeze %dma_wait3A_177 : memref<1x1x64xi32, #tpu.memory_space<vmem>> -> memref<64xi32, #tpu.memory_space<vmem>>
    %dma_wait3A_179 = arith.constant 0 : i32
    %dma_wait3A_180 = arith.constant 0 : i32
    %dma_wait3A_181 = tpu.memref_slice %arg2[%dma_wait3A_179, %dma_wait3A_180] : memref<4096x256xf32, #tpu.memory_space<hbm>> -> memref<4096x256xf32, #tpu.memory_space<hbm>>
    tpu.wait_indirect_dma semaphore(%arg15 : memref<!tpu.dma_semaphore, #tpu.memory_space<semaphore_mem>>) src(%dma_wait3A_181 : memref<4096x256xf32, #tpu.memory_space<hbm>>) dst(%dma_wait3A_175 : memref<64x256xf32, #tpu.memory_space<vmem>>)
    %run_scoped3A_182 = arith.constant 1 : i32
    %run_scoped3A_183 = arith.constant 1 : i32
    "tpu.region"() ({
      %run_scoped3A_200 = tpu.sem_alloc : memref<!tpu.dma_semaphore, #tpu.memory_space<semaphore_mem>>
      %dma_start3A_201 = arith.constant 0 : i32
      %dma_start3A_202 = arith.constant 0 : i32
      %dma_start3A_203 = tpu.memref_slice %arg10[%run_scoped3A_182, %run_scoped3A_183, %dma_start3A_201, %dma_start3A_202] : memref<2x3x64x256xf32, #tpu.memory_space<vmem>> -> memref<1x1x64x256xf32, #tpu.memory_space<vmem>>
      %dma_start3A_204 = tpu.memref_squeeze %dma_start3A_203 : memref<1x1x64x256xf32, #tpu.memory_space<vmem>> -> memref<64x256xf32, #tpu.memory_space<vmem>>
      %dma_start3A_205 = arith.constant 0 : i32
      %dma_start3A_206 = tpu.memref_slice %arg7[%add3A_151, %dma_start3A_205] : memref<4096x256xf32, #tpu.memory_space<hbm>> -> memref<64x256xf32, #tpu.memory_space<hbm>>
      %dma_start3A_207 = arith.constant 0 : i32
      %dma_start3A_208 = tpu.memref_slice %arg7[%add3A_151, %dma_start3A_207] : memref<4096x256xf32, #tpu.memory_space<hbm>> -> memref<64x256xf32, #tpu.memory_space<hbm>>
      %dma_start3A_209 = arith.constant 0 : i32
      %dma_start3A_210 = arith.constant 0 : i32
      %dma_start3A_211 = tpu.memref_slice %arg10[%run_scoped3A_182, %run_scoped3A_183, %dma_start3A_209, %dma_start3A_210] : memref<2x3x64x256xf32, #tpu.memory_space<vmem>> -> memref<1x1x64x256xf32, #tpu.memory_space<vmem>>
      %dma_start3A_212 = tpu.memref_squeeze %dma_start3A_211 : memref<1x1x64x256xf32, #tpu.memory_space<vmem>> -> memref<64x256xf32, #tpu.memory_space<vmem>>
      tpu.enqueue_dma source(%dma_start3A_212 : memref<64x256xf32, #tpu.memory_space<vmem>>) target(%dma_start3A_208 : memref<64x256xf32, #tpu.memory_space<hbm>>) target_semaphore(%run_scoped3A_200 : memref<!tpu.dma_semaphore, #tpu.memory_space<semaphore_mem>>)
      %dma_wait3A_213 = arith.constant 0 : i32
      %dma_wait3A_214 = arith.constant 0 : i32
      %dma_wait3A_215 = tpu.memref_slice %arg10[%run_scoped3A_182, %run_scoped3A_183, %dma_wait3A_213, %dma_wait3A_214] : memref<2x3x64x256xf32, #tpu.memory_space<vmem>> -> memref<1x1x64x256xf32, #tpu.memory_space<vmem>>
      %dma_wait3A_216 = tpu.memref_squeeze %dma_wait3A_215 : memref<1x1x64x256xf32, #tpu.memory_space<vmem>> -> memref<64x256xf32, #tpu.memory_space<vmem>>
      %dma_wait3A_217 = arith.constant 0 : i32
      %dma_wait3A_218 = tpu.memref_slice %arg7[%add3A_151, %dma_wait3A_217] : memref<4096x256xf32, #tpu.memory_space<hbm>> -> memref<64x256xf32, #tpu.memory_space<hbm>>
      %dma_wait3A_219 = arith.constant 0 : i32
      %dma_wait3A_220 = tpu.memref_slice %arg7[%add3A_151, %dma_wait3A_219] : memref<4096x256xf32, #tpu.memory_space<hbm>> -> memref<64x256xf32, #tpu.memory_space<hbm>>
      %dma_wait3A_221 = arith.constant 0 : i32
      %dma_wait3A_222 = arith.constant 0 : i32
      %dma_wait3A_223 = tpu.memref_slice %arg10[%run_scoped3A_182, %run_scoped3A_183, %dma_wait3A_221, %dma_wait3A_222] : memref<2x3x64x256xf32, #tpu.memory_space<vmem>> -> memref<1x1x64x256xf32, #tpu.memory_space<vmem>>
      %dma_wait3A_224 = tpu.memref_squeeze %dma_wait3A_223 : memref<1x1x64x256xf32, #tpu.memory_space<vmem>> -> memref<64x256xf32, #tpu.memory_space<vmem>>
      tpu.wait_dma2 semaphore(%run_scoped3A_200 : memref<!tpu.dma_semaphore, #tpu.memory_space<semaphore_mem>>) src(%dma_wait3A_224 : memref<64x256xf32, #tpu.memory_space<vmem>>) dst(%dma_wait3A_220 : memref<64x256xf32, #tpu.memory_space<hbm>>)
      tpu.yield
    }) : () -> ()
    %dma_wait3A_184 = arith.constant 1 : i32
    %dma_wait3A_185 = arith.constant 2 : i32
    %dma_wait3A_186 = arith.constant 1 : i32
    %dma_wait3A_187 = arith.constant 2 : i32
    %dma_wait3A_188 = arith.constant 0 : i32
    %dma_wait3A_189 = arith.constant 0 : i32
    %dma_wait3A_190 = tpu.memref_slice %arg10[%dma_wait3A_186, %dma_wait3A_187, %dma_wait3A_188, %dma_wait3A_189] : memref<2x3x64x256xf32, #tpu.memory_space<vmem>> -> memref<1x1x64x256xf32, #tpu.memory_space<vmem>>
    %dma_wait3A_191 = tpu.memref_squeeze %dma_wait3A_190 : memref<1x1x64x256xf32, #tpu.memory_space<vmem>> -> memref<64x256xf32, #tpu.memory_space<vmem>>
    %dma_wait3A_192 = arith.constant 0 : i32
    %dma_wait3A_193 = tpu.memref_slice %arg9[%dma_wait3A_184, %dma_wait3A_185, %dma_wait3A_192] : memref<2x3x64xi32, #tpu.memory_space<vmem>> -> memref<1x1x64xi32, #tpu.memory_space<vmem>>
    %dma_wait3A_194 = tpu.memref_squeeze %dma_wait3A_193 : memref<1x1x64xi32, #tpu.memory_space<vmem>> -> memref<64xi32, #tpu.memory_space<vmem>>
    %dma_wait3A_195 = arith.constant 0 : i32
    %dma_wait3A_196 = arith.constant 0 : i32
    %dma_wait3A_197 = tpu.memref_slice %arg2[%dma_wait3A_195, %dma_wait3A_196] : memref<4096x256xf32, #tpu.memory_space<hbm>> -> memref<4096x256xf32, #tpu.memory_space<hbm>>
    tpu.wait_indirect_dma semaphore(%arg16 : memref<!tpu.dma_semaphore, #tpu.memory_space<semaphore_mem>>) src(%dma_wait3A_197 : memref<4096x256xf32, #tpu.memory_space<hbm>>) dst(%dma_wait3A_191 : memref<64x256xf32, #tpu.memory_space<vmem>>)
    %run_scoped3A_198 = arith.constant 1 : i32
    %run_scoped3A_199 = arith.constant 2 : i32
    "tpu.region"() ({
      %run_scoped3A_200 = tpu.sem_alloc : memref<!tpu.dma_semaphore, #tpu.memory_space<semaphore_mem>>
      %dma_start3A_201 = arith.constant 0 : i32
      %dma_start3A_202 = arith.constant 0 : i32
      %dma_start3A_203 = tpu.memref_slice %arg10[%run_scoped3A_198, %run_scoped3A_199, %dma_start3A_201, %dma_start3A_202] : memref<2x3x64x256xf32, #tpu.memory_space<vmem>> -> memref<1x1x64x256xf32, #tpu.memory_space<vmem>>
      %dma_start3A_204 = tpu.memref_squeeze %dma_start3A_203 : memref<1x1x64x256xf32, #tpu.memory_space<vmem>> -> memref<64x256xf32, #tpu.memory_space<vmem>>
      %dma_start3A_205 = arith.constant 0 : i32
      %dma_start3A_206 = tpu.memref_slice %arg8[%add3A_151, %dma_start3A_205] : memref<4096x256xf32, #tpu.memory_space<hbm>> -> memref<64x256xf32, #tpu.memory_space<hbm>>
      %dma_start3A_207 = arith.constant 0 : i32
      %dma_start3A_208 = tpu.memref_slice %arg8[%add3A_151, %dma_start3A_207] : memref<4096x256xf32, #tpu.memory_space<hbm>> -> memref<64x256xf32, #tpu.memory_space<hbm>>
      %dma_start3A_209 = arith.constant 0 : i32
      %dma_start3A_210 = arith.constant 0 : i32
      %dma_start3A_211 = tpu.memref_slice %arg10[%run_scoped3A_198, %run_scoped3A_199, %dma_start3A_209, %dma_start3A_210] : memref<2x3x64x256xf32, #tpu.memory_space<vmem>> -> memref<1x1x64x256xf32, #tpu.memory_space<vmem>>
      %dma_start3A_212 = tpu.memref_squeeze %dma_start3A_211 : memref<1x1x64x256xf32, #tpu.memory_space<vmem>> -> memref<64x256xf32, #tpu.memory_space<vmem>>
      tpu.enqueue_dma source(%dma_start3A_212 : memref<64x256xf32, #tpu.memory_space<vmem>>) target(%dma_start3A_208 : memref<64x256xf32, #tpu.memory_space<hbm>>) target_semaphore(%run_scoped3A_200 : memref<!tpu.dma_semaphore, #tpu.memory_space<semaphore_mem>>)
      %dma_wait3A_213 = arith.constant 0 : i32
      %dma_wait3A_214 = arith.constant 0 : i32
      %dma_wait3A_215 = tpu.memref_slice %arg10[%run_scoped3A_198, %run_scoped3A_199, %dma_wait3A_213, %dma_wait3A_214] : memref<2x3x64x256xf32, #tpu.memory_space<vmem>> -> memref<1x1x64x256xf32, #tpu.memory_space<vmem>>
      %dma_wait3A_216 = tpu.memref_squeeze %dma_wait3A_215 : memref<1x1x64x256xf32, #tpu.memory_space<vmem>> -> memref<64x256xf32, #tpu.memory_space<vmem>>
      %dma_wait3A_217 = arith.constant 0 : i32
      %dma_wait3A_218 = tpu.memref_slice %arg8[%add3A_151, %dma_wait3A_217] : memref<4096x256xf32, #tpu.memory_space<hbm>> -> memref<64x256xf32, #tpu.memory_space<hbm>>
      %dma_wait3A_219 = arith.constant 0 : i32
      %dma_wait3A_220 = tpu.memref_slice %arg8[%add3A_151, %dma_wait3A_219] : memref<4096x256xf32, #tpu.memory_space<hbm>> -> memref<64x256xf32, #tpu.memory_space<hbm>>
      %dma_wait3A_221 = arith.constant 0 : i32
      %dma_wait3A_222 = arith.constant 0 : i32
      %dma_wait3A_223 = tpu.memref_slice %arg10[%run_scoped3A_198, %run_scoped3A_199, %dma_wait3A_221, %dma_wait3A_222] : memref<2x3x64x256xf32, #tpu.memory_space<vmem>> -> memref<1x1x64x256xf32, #tpu.memory_space<vmem>>
      %dma_wait3A_224 = tpu.memref_squeeze %dma_wait3A_223 : memref<1x1x64x256xf32, #tpu.memory_space<vmem>> -> memref<64x256xf32, #tpu.memory_space<vmem>>
      tpu.wait_dma2 semaphore(%run_scoped3A_200 : memref<!tpu.dma_semaphore, #tpu.memory_space<semaphore_mem>>) src(%dma_wait3A_224 : memref<64x256xf32, #tpu.memory_space<vmem>>) dst(%dma_wait3A_220 : memref<64x256xf32, #tpu.memory_space<hbm>>)
      tpu.yield
    }) : () -> ()
    return
  }
}

module attributes {stable_mosaic.version = 14 : i64} {
  func.func @_combine_body(%arg0: i32, %arg1: memref<1024x256xf32, #tpu.memory_space<vmem>>, %arg2: memref<1024x256xf32, #tpu.memory_space<vmem>>, %arg3: memref<1024x256xf32, #tpu.memory_space<vmem>>, %arg4: memref<1024x256xf32, #tpu.memory_space<vmem>>, %arg5: memref<1024x1xf32, #tpu.memory_space<vmem>>, %arg6: memref<1024x1xf32, #tpu.memory_space<vmem>>, %arg7: memref<1024x1xf32, #tpu.memory_space<vmem>>, %arg8: memref<1024x1xf32, #tpu.memory_space<vmem>>, %arg9: memref<1x1xf32, #tpu.memory_space<smem>>, %arg10: memref<1x1xf32, #tpu.memory_space<smem>>) attributes {dimension_semantics = [#tpu.dimension_semantics<arbitrary>], iteration_bounds = array<i64: 4>, scalar_prefetch = 0 : i64, scratch_operands = 0 : i64, tpu.core_type = #tpu.core_type<tc>, window_params = [{transform_indices = @transform_0, window_bounds = array<i64: 1024, 256>}, {transform_indices = @transform_1, window_bounds = array<i64: 1024, 256>}, {transform_indices = @transform_2, window_bounds = array<i64: 1024, 256>}, {transform_indices = @transform_3, window_bounds = array<i64: 1024, 256>}, {transform_indices = @transform_4, window_bounds = array<i64: 1024, 1>}, {transform_indices = @transform_5, window_bounds = array<i64: 1024, 1>}, {transform_indices = @transform_6, window_bounds = array<i64: 1024, 1>}, {transform_indices = @transform_7, window_bounds = array<i64: 1024, 1>}, {transform_indices = @transform_8, window_bounds = array<i64: 1, 1>}, {transform_indices = @transform_9, window_bounds = array<i64: 1, 1>}]} {
    %get3A = arith.constant 0 : index
    %get3A_0 = arith.constant 0 : index
    %get3A_1 = vector.load %arg1[%get3A, %get3A_0] : memref<1024x256xf32, #tpu.memory_space<vmem>>, vector<1024x256xf32>
    %get3A_2 = arith.constant 0 : index
    %get3A_3 = arith.constant 0 : index
    %get3A_4 = vector.load %arg5[%get3A_2, %get3A_3] : memref<1024x1xf32, #tpu.memory_space<vmem>>, vector<1024x1xf32>
    %mul3A = vector.broadcast %get3A_4 : vector<1024x1xf32> to vector<1024x256xf32>
    %mul3A_5 = arith.mulf %mul3A, %get3A_1 : vector<1024x256xf32>
    %get3A_6 = arith.constant 0 : index
    %get3A_7 = arith.constant 0 : index
    %get3A_8 = vector.load %arg6[%get3A_6, %get3A_7] : memref<1024x1xf32, #tpu.memory_space<vmem>>, vector<1024x1xf32>
    %get3A_9 = arith.constant 0 : index
    %get3A_10 = arith.constant 0 : index
    %get3A_11 = vector.load %arg2[%get3A_9, %get3A_10] : memref<1024x256xf32, #tpu.memory_space<vmem>>, vector<1024x256xf32>
    %mul3A_12 = vector.broadcast %get3A_8 : vector<1024x1xf32> to vector<1024x256xf32>
    %mul3A_13 = arith.mulf %mul3A_12, %get3A_11 : vector<1024x256xf32>
    %add3A = arith.addf %mul3A_5, %mul3A_13 : vector<1024x256xf32>
    %get3A_14 = arith.constant 0 : index
    %get3A_15 = arith.constant 0 : index
    %get3A_16 = vector.load %arg7[%get3A_14, %get3A_15] : memref<1024x1xf32, #tpu.memory_space<vmem>>, vector<1024x1xf32>
    %get3A_17 = arith.constant 0 : index
    %get3A_18 = arith.constant 0 : index
    %get3A_19 = vector.load %arg3[%get3A_17, %get3A_18] : memref<1024x256xf32, #tpu.memory_space<vmem>>, vector<1024x256xf32>
    %mul3A_20 = vector.broadcast %get3A_16 : vector<1024x1xf32> to vector<1024x256xf32>
    %mul3A_21 = arith.mulf %mul3A_20, %get3A_19 : vector<1024x256xf32>
    %add3A_22 = arith.addf %add3A, %mul3A_21 : vector<1024x256xf32>
    %get3A_23 = arith.constant 0 : index
    %get3A_24 = arith.constant 0 : index
    %get3A_25 = vector.load %arg8[%get3A_23, %get3A_24] : memref<1024x1xf32, #tpu.memory_space<vmem>>, vector<1024x1xf32>
    %get3A_26 = arith.constant 0 : index
    %get3A_27 = arith.constant 0 : index
    %get3A_28 = vector.load %arg4[%get3A_26, %get3A_27] : memref<1024x256xf32, #tpu.memory_space<vmem>>, vector<1024x256xf32>
    %mul3A_29 = vector.broadcast %get3A_25 : vector<1024x1xf32> to vector<1024x256xf32>
    %mul3A_30 = arith.mulf %mul3A_29, %get3A_28 : vector<1024x256xf32>
    %add3A_31 = arith.addf %add3A_22, %mul3A_30 : vector<1024x256xf32>
    %mul3A_32 = arith.mulf %get3A_1, %get3A_1 : vector<1024x256xf32>
    %reduce_sum3A = arith.constant dense<0.000000e+00> : vector<1024xf32>
    %reduce_sum3A_33 = vector.multi_reduction <add>, %mul3A_32, %reduce_sum3A [1] : vector<1024x256xf32> to vector<1024xf32>
    %broadcast_in_dim3A = vector.shape_cast %reduce_sum3A_33 : vector<1024xf32> to vector<1024x1xf32>
    %sqrt3A = math.sqrt %broadcast_in_dim3A : vector<1024x1xf32>
    %mul3A_34 = arith.mulf %add3A_31, %add3A_31 : vector<1024x256xf32>
    %reduce_sum3A_35 = arith.constant dense<0.000000e+00> : vector<1024xf32>
    %reduce_sum3A_36 = vector.multi_reduction <add>, %mul3A_34, %reduce_sum3A_35 [1] : vector<1024x256xf32> to vector<1024xf32>
    %broadcast_in_dim3A_37 = vector.shape_cast %reduce_sum3A_36 : vector<1024xf32> to vector<1024x1xf32>
    %sqrt3A_38 = math.sqrt %broadcast_in_dim3A_37 : vector<1024x1xf32>
    %add3A_39 = arith.constant 1.000000e-10 : f32
    %add3A_40 = vector.broadcast %add3A_39 : f32 to vector<1024x1xf32>
    %add3A_41 = arith.addf %add3A_40, %sqrt3A : vector<1024x1xf32>
    %div3A = vector.broadcast %add3A_41 : vector<1024x1xf32> to vector<1024x256xf32>
    %div3A_42 = arith.divf %get3A_1, %div3A : vector<1024x256xf32>
    %add3A_43 = arith.constant 1.000000e-10 : f32
    %add3A_44 = vector.broadcast %add3A_43 : f32 to vector<1024x1xf32>
    %add3A_45 = arith.addf %add3A_44, %sqrt3A_38 : vector<1024x1xf32>
    %div3A_46 = vector.broadcast %add3A_45 : vector<1024x1xf32> to vector<1024x256xf32>
    %div3A_47 = arith.divf %add3A_31, %div3A_46 : vector<1024x256xf32>
    %mul3A_48 = arith.mulf %div3A_42, %div3A_47 : vector<1024x256xf32>
    %reduce_sum3A_49 = vector.shape_cast %mul3A_48 : vector<1024x256xf32> to vector<1x1024x256xf32>
    %reduce_sum3A_50 = arith.constant dense<0.000000e+00> : vector<1xf32>
    %reduce_sum3A_51 = vector.multi_reduction <add>, %reduce_sum3A_49, %reduce_sum3A_50 [1, 2] : vector<1x1024x256xf32> to vector<1xf32>
    %reduce_sum3A_52 = vector.shape_cast %reduce_sum3A_51 : vector<1xf32> to vector<1x1x1xf32>
    %reduce_sum3A_53 = vector.extract %reduce_sum3A_52[0, 0, 0] : f32 from vector<1x1x1xf32>
    %eq3A = arith.constant 0 : i32
    %eq3A_54 = arith.cmpi eq, %arg0, %eq3A : i32
    %convert_element_type3A = arith.extui %eq3A_54 : i1 to i32
    %cond3A = arith.constant 0 : i32
    %cond3A_55 = arith.cmpi ne, %convert_element_type3A, %cond3A : i32
    scf.if %cond3A_55 {
      %get3A_67 = arith.constant 0 : index
      %get3A_68 = arith.constant 0 : index
      %get3A_69 = memref.load %arg9[%get3A_67, %get3A_68] : memref<1x1xf32, #tpu.memory_space<smem>>
      %swap3A_70 = arith.constant 0 : index
      %swap3A_71 = arith.constant 0 : index
      %swap3A_72 = memref.load %arg10[%swap3A_70, %swap3A_71] : memref<1x1xf32, #tpu.memory_space<smem>>
      memref.store %get3A_69, %arg10[%swap3A_70, %swap3A_71] : memref<1x1xf32, #tpu.memory_space<smem>>
    } else {
    }
    %get3A_56 = arith.constant 0 : index
    %get3A_57 = arith.constant 0 : index
    %get3A_58 = memref.load %arg10[%get3A_56, %get3A_57] : memref<1x1xf32, #tpu.memory_space<smem>>
    %add3A_59 = arith.addf %get3A_58, %reduce_sum3A_53 : f32
    %swap3A = arith.constant 0 : index
    %swap3A_60 = arith.constant 0 : index
    %swap3A_61 = memref.load %arg10[%swap3A, %swap3A_60] : memref<1x1xf32, #tpu.memory_space<smem>>
    memref.store %add3A_59, %arg10[%swap3A, %swap3A_60] : memref<1x1xf32, #tpu.memory_space<smem>>
    %eq3A_62 = arith.constant 3 : i32
    %eq3A_63 = arith.cmpi eq, %arg0, %eq3A_62 : i32
    %convert_element_type3A_64 = arith.extui %eq3A_63 : i1 to i32
    %cond3A_65 = arith.constant 0 : i32
    %cond3A_66 = arith.cmpi ne, %convert_element_type3A_64, %cond3A_65 : i32
    scf.if %cond3A_66 {
      %get3A_67 = arith.constant 0 : index
      %get3A_68 = arith.constant 0 : index
      %get3A_69 = memref.load %arg10[%get3A_67, %get3A_68] : memref<1x1xf32, #tpu.memory_space<smem>>
      %div3A_70 = arith.constant 4.096000e+03 : f32
      %div3A_71 = arith.divf %get3A_69, %div3A_70 : f32
      %sub3A = arith.constant 1.000000e+00 : f32
      %sub3A_72 = arith.subf %sub3A, %div3A_71 : f32
      %swap3A_73 = arith.constant 0 : index
      %swap3A_74 = arith.constant 0 : index
      %swap3A_75 = memref.load %arg10[%swap3A_73, %swap3A_74] : memref<1x1xf32, #tpu.memory_space<smem>>
      memref.store %sub3A_72, %arg10[%swap3A_73, %swap3A_74] : memref<1x1xf32, #tpu.memory_space<smem>>
    } else {
    }
    return
  }
  func.func @transform_0(%arg0: i32) -> (i32, i32) {
    %add3A = arith.constant 0 : i32
    %add3A_0 = arith.addi %add3A, %arg0 : i32
    %c0_i32 = arith.constant 0 : i32
    %c0_i32_1 = arith.constant 0 : i32
    return %add3A_0, %c0_i32 : i32, i32
  }
  func.func @transform_1(%arg0: i32) -> (i32, i32) {
    %c0_i32 = arith.constant 0 : i32
    %c0_i32_0 = arith.constant 0 : i32
    return %arg0, %c0_i32 : i32, i32
  }
  func.func @transform_2(%arg0: i32) -> (i32, i32) {
    %c0_i32 = arith.constant 0 : i32
    %c0_i32_0 = arith.constant 0 : i32
    return %arg0, %c0_i32 : i32, i32
  }
  func.func @transform_3(%arg0: i32) -> (i32, i32) {
    %c0_i32 = arith.constant 0 : i32
    %c0_i32_0 = arith.constant 0 : i32
    return %arg0, %c0_i32 : i32, i32
  }
  func.func @transform_4(%arg0: i32) -> (i32, i32) {
    %c0_i32 = arith.constant 0 : i32
    %c0_i32_0 = arith.constant 0 : i32
    return %arg0, %c0_i32 : i32, i32
  }
  func.func @transform_5(%arg0: i32) -> (i32, i32) {
    %c0_i32 = arith.constant 0 : i32
    %c0_i32_0 = arith.constant 0 : i32
    return %arg0, %c0_i32 : i32, i32
  }
  func.func @transform_6(%arg0: i32) -> (i32, i32) {
    %c0_i32 = arith.constant 0 : i32
    %c0_i32_0 = arith.constant 0 : i32
    return %arg0, %c0_i32 : i32, i32
  }
  func.func @transform_7(%arg0: i32) -> (i32, i32) {
    %c0_i32 = arith.constant 0 : i32
    %c0_i32_0 = arith.constant 0 : i32
    return %arg0, %c0_i32 : i32, i32
  }
  func.func @transform_8(%arg0: i32) -> (i32, i32) {
    %c0_i32 = arith.constant 0 : i32
    %c0_i32_0 = arith.constant 0 : i32
    %c0_i32_1 = arith.constant 0 : i32
    return %c0_i32, %c0_i32_0 : i32, i32
  }
  func.func @transform_9(%arg0: i32) -> (i32, i32) {
    %c0_i32 = arith.constant 0 : i32
    %c0_i32_0 = arith.constant 0 : i32
    %c0_i32_1 = arith.constant 0 : i32
    return %c0_i32, %c0_i32_0 : i32, i32
  }
}

module attributes {stable_mosaic.version = 14 : i64} {
  func.func @_topk_body(%arg0: i32, %arg1: memref<1x4096xf32, #tpu.memory_space<vmem>>, %arg2: memref<128x32xf32, #tpu.memory_space<vmem>>, %arg3: memref<1024x1xf32, #tpu.memory_space<vmem>>, %arg4: memref<1024x1xi32, #tpu.memory_space<vmem>>, %arg5: memref<1024x1xi32, #tpu.memory_space<vmem>>, %arg6: memref<1024x1xi32, #tpu.memory_space<vmem>>, %arg7: memref<1024x1xf32, #tpu.memory_space<vmem>>, %arg8: memref<1024x1xf32, #tpu.memory_space<vmem>>, %arg9: memref<1024x1xf32, #tpu.memory_space<vmem>>, %arg10: memref<1024x1xf32, #tpu.memory_space<vmem>>) attributes {dimension_semantics = [#tpu.dimension_semantics<arbitrary>], iteration_bounds = array<i64: 4>, scalar_prefetch = 0 : i64, scratch_operands = 0 : i64, tpu.core_type = #tpu.core_type<tc>, window_params = [{pipeline_mode = #tpu.pipeline_mode<synchronous>, transform_indices = @transform_0, window_bounds = array<i64: 1, 4096>}, {pipeline_mode = #tpu.pipeline_mode<synchronous>, transform_indices = @transform_1, window_bounds = array<i64: 128, 32>}, {transform_indices = @transform_2, window_bounds = array<i64: 1024, 1>}, {transform_indices = @transform_3, window_bounds = array<i64: 1024, 1>}, {transform_indices = @transform_4, window_bounds = array<i64: 1024, 1>}, {transform_indices = @transform_5, window_bounds = array<i64: 1024, 1>}, {transform_indices = @transform_6, window_bounds = array<i64: 1024, 1>}, {transform_indices = @transform_7, window_bounds = array<i64: 1024, 1>}, {transform_indices = @transform_8, window_bounds = array<i64: 1024, 1>}, {transform_indices = @transform_9, window_bounds = array<i64: 1024, 1>}]} {
    %mul3A = arith.constant 1024 : i32
    %mul3A_0 = arith.muli %arg0, %mul3A : i32
    %iota3A = tpu.iota {dimensions = array<i32: 0>} : vector<1024x1xi32>
    %add3A = vector.broadcast %mul3A_0 : i32 to vector<1024x1xi32>
    %add3A_1 = arith.addi %add3A, %iota3A : vector<1024x1xi32>
    %get3A = arith.constant 0 : index
    %get3A_2 = arith.constant 0 : index
    %get3A_3 = vector.load %arg3[%get3A, %get3A_2] : memref<1024x1xf32, #tpu.memory_space<vmem>>, vector<1024x1xf32>
    %get3A_4 = arith.constant 0 : index
    %get3A_5 = arith.constant 0 : index
    %get3A_6 = vector.load %arg1[%get3A_4, %get3A_5] : memref<1x4096xf32, #tpu.memory_space<vmem>>, vector<1x128xf32>
    %sub3A = vector.broadcast %get3A_6 : vector<1x128xf32> to vector<1024x128xf32>
    %sub3A_7 = vector.broadcast %get3A_3 : vector<1024x1xf32> to vector<1024x128xf32>
    %sub3A_8 = arith.subf %sub3A, %sub3A_7 : vector<1024x128xf32>
    %abs3A = math.absf %sub3A_8 : vector<1024x128xf32>
    %get3A_9 = arith.constant 0 : index
    %get3A_10 = arith.constant 128 : index
    %get3A_11 = vector.load %arg1[%get3A_9, %get3A_10] : memref<1x4096xf32, #tpu.memory_space<vmem>>, vector<1x128xf32>
    %sub3A_12 = vector.broadcast %get3A_11 : vector<1x128xf32> to vector<1024x128xf32>
    %sub3A_13 = vector.broadcast %get3A_3 : vector<1024x1xf32> to vector<1024x128xf32>
    %sub3A_14 = arith.subf %sub3A_12, %sub3A_13 : vector<1024x128xf32>
    %abs3A_15 = math.absf %sub3A_14 : vector<1024x128xf32>
    %min3A = arith.minimumf %abs3A, %abs3A_15 : vector<1024x128xf32>
    %get3A_16 = arith.constant 0 : index
    %get3A_17 = arith.constant 256 : index
    %get3A_18 = vector.load %arg1[%get3A_16, %get3A_17] : memref<1x4096xf32, #tpu.memory_space<vmem>>, vector<1x128xf32>
    %sub3A_19 = vector.broadcast %get3A_18 : vector<1x128xf32> to vector<1024x128xf32>
    %sub3A_20 = vector.broadcast %get3A_3 : vector<1024x1xf32> to vector<1024x128xf32>
    %sub3A_21 = arith.subf %sub3A_19, %sub3A_20 : vector<1024x128xf32>
    %abs3A_22 = math.absf %sub3A_21 : vector<1024x128xf32>
    %min3A_23 = arith.minimumf %min3A, %abs3A_22 : vector<1024x128xf32>
    %get3A_24 = arith.constant 0 : index
    %get3A_25 = arith.constant 384 : index
    %get3A_26 = vector.load %arg1[%get3A_24, %get3A_25] : memref<1x4096xf32, #tpu.memory_space<vmem>>, vector<1x128xf32>
    %sub3A_27 = vector.broadcast %get3A_26 : vector<1x128xf32> to vector<1024x128xf32>
    %sub3A_28 = vector.broadcast %get3A_3 : vector<1024x1xf32> to vector<1024x128xf32>
    %sub3A_29 = arith.subf %sub3A_27, %sub3A_28 : vector<1024x128xf32>
    %abs3A_30 = math.absf %sub3A_29 : vector<1024x128xf32>
    %min3A_31 = arith.minimumf %min3A_23, %abs3A_30 : vector<1024x128xf32>
    %get3A_32 = arith.constant 0 : index
    %get3A_33 = arith.constant 512 : index
    %get3A_34 = vector.load %arg1[%get3A_32, %get3A_33] : memref<1x4096xf32, #tpu.memory_space<vmem>>, vector<1x128xf32>
    %sub3A_35 = vector.broadcast %get3A_34 : vector<1x128xf32> to vector<1024x128xf32>
    %sub3A_36 = vector.broadcast %get3A_3 : vector<1024x1xf32> to vector<1024x128xf32>
    %sub3A_37 = arith.subf %sub3A_35, %sub3A_36 : vector<1024x128xf32>
    %abs3A_38 = math.absf %sub3A_37 : vector<1024x128xf32>
    %min3A_39 = arith.minimumf %min3A_31, %abs3A_38 : vector<1024x128xf32>
    %get3A_40 = arith.constant 0 : index
    %get3A_41 = arith.constant 640 : index
    %get3A_42 = vector.load %arg1[%get3A_40, %get3A_41] : memref<1x4096xf32, #tpu.memory_space<vmem>>, vector<1x128xf32>
    %sub3A_43 = vector.broadcast %get3A_42 : vector<1x128xf32> to vector<1024x128xf32>
    %sub3A_44 = vector.broadcast %get3A_3 : vector<1024x1xf32> to vector<1024x128xf32>
    %sub3A_45 = arith.subf %sub3A_43, %sub3A_44 : vector<1024x128xf32>
    %abs3A_46 = math.absf %sub3A_45 : vector<1024x128xf32>
    %min3A_47 = arith.minimumf %min3A_39, %abs3A_46 : vector<1024x128xf32>
    %get3A_48 = arith.constant 0 : index
    %get3A_49 = arith.constant 768 : index
    %get3A_50 = vector.load %arg1[%get3A_48, %get3A_49] : memref<1x4096xf32, #tpu.memory_space<vmem>>, vector<1x128xf32>
    %sub3A_51 = vector.broadcast %get3A_50 : vector<1x128xf32> to vector<1024x128xf32>
    %sub3A_52 = vector.broadcast %get3A_3 : vector<1024x1xf32> to vector<1024x128xf32>
    %sub3A_53 = arith.subf %sub3A_51, %sub3A_52 : vector<1024x128xf32>
    %abs3A_54 = math.absf %sub3A_53 : vector<1024x128xf32>
    %min3A_55 = arith.minimumf %min3A_47, %abs3A_54 : vector<1024x128xf32>
    %get3A_56 = arith.constant 0 : index
    %get3A_57 = arith.constant 896 : index
    %get3A_58 = vector.load %arg1[%get3A_56, %get3A_57] : memref<1x4096xf32, #tpu.memory_space<vmem>>, vector<1x128xf32>
    %sub3A_59 = vector.broadcast %get3A_58 : vector<1x128xf32> to vector<1024x128xf32>
    %sub3A_60 = vector.broadcast %get3A_3 : vector<1024x1xf32> to vector<1024x128xf32>
    %sub3A_61 = arith.subf %sub3A_59, %sub3A_60 : vector<1024x128xf32>
    %abs3A_62 = math.absf %sub3A_61 : vector<1024x128xf32>
    %min3A_63 = arith.minimumf %min3A_55, %abs3A_62 : vector<1024x128xf32>
    %get3A_64 = arith.constant 0 : index
    %get3A_65 = arith.constant 1024 : index
    %get3A_66 = vector.load %arg1[%get3A_64, %get3A_65] : memref<1x4096xf32, #tpu.memory_space<vmem>>, vector<1x128xf32>
    %sub3A_67 = vector.broadcast %get3A_66 : vector<1x128xf32> to vector<1024x128xf32>
    %sub3A_68 = vector.broadcast %get3A_3 : vector<1024x1xf32> to vector<1024x128xf32>
    %sub3A_69 = arith.subf %sub3A_67, %sub3A_68 : vector<1024x128xf32>
    %abs3A_70 = math.absf %sub3A_69 : vector<1024x128xf32>
    %min3A_71 = arith.minimumf %min3A_63, %abs3A_70 : vector<1024x128xf32>
    %get3A_72 = arith.constant 0 : index
    %get3A_73 = arith.constant 1152 : index
    %get3A_74 = vector.load %arg1[%get3A_72, %get3A_73] : memref<1x4096xf32, #tpu.memory_space<vmem>>, vector<1x128xf32>
    %sub3A_75 = vector.broadcast %get3A_74 : vector<1x128xf32> to vector<1024x128xf32>
    %sub3A_76 = vector.broadcast %get3A_3 : vector<1024x1xf32> to vector<1024x128xf32>
    %sub3A_77 = arith.subf %sub3A_75, %sub3A_76 : vector<1024x128xf32>
    %abs3A_78 = math.absf %sub3A_77 : vector<1024x128xf32>
    %min3A_79 = arith.minimumf %min3A_71, %abs3A_78 : vector<1024x128xf32>
    %get3A_80 = arith.constant 0 : index
    %get3A_81 = arith.constant 1280 : index
    %get3A_82 = vector.load %arg1[%get3A_80, %get3A_81] : memref<1x4096xf32, #tpu.memory_space<vmem>>, vector<1x128xf32>
    %sub3A_83 = vector.broadcast %get3A_82 : vector<1x128xf32> to vector<1024x128xf32>
    %sub3A_84 = vector.broadcast %get3A_3 : vector<1024x1xf32> to vector<1024x128xf32>
    %sub3A_85 = arith.subf %sub3A_83, %sub3A_84 : vector<1024x128xf32>
    %abs3A_86 = math.absf %sub3A_85 : vector<1024x128xf32>
    %min3A_87 = arith.minimumf %min3A_79, %abs3A_86 : vector<1024x128xf32>
    %get3A_88 = arith.constant 0 : index
    %get3A_89 = arith.constant 1408 : index
    %get3A_90 = vector.load %arg1[%get3A_88, %get3A_89] : memref<1x4096xf32, #tpu.memory_space<vmem>>, vector<1x128xf32>
    %sub3A_91 = vector.broadcast %get3A_90 : vector<1x128xf32> to vector<1024x128xf32>
    %sub3A_92 = vector.broadcast %get3A_3 : vector<1024x1xf32> to vector<1024x128xf32>
    %sub3A_93 = arith.subf %sub3A_91, %sub3A_92 : vector<1024x128xf32>
    %abs3A_94 = math.absf %sub3A_93 : vector<1024x128xf32>
    %min3A_95 = arith.minimumf %min3A_87, %abs3A_94 : vector<1024x128xf32>
    %get3A_96 = arith.constant 0 : index
    %get3A_97 = arith.constant 1536 : index
    %get3A_98 = vector.load %arg1[%get3A_96, %get3A_97] : memref<1x4096xf32, #tpu.memory_space<vmem>>, vector<1x128xf32>
    %sub3A_99 = vector.broadcast %get3A_98 : vector<1x128xf32> to vector<1024x128xf32>
    %sub3A_100 = vector.broadcast %get3A_3 : vector<1024x1xf32> to vector<1024x128xf32>
    %sub3A_101 = arith.subf %sub3A_99, %sub3A_100 : vector<1024x128xf32>
    %abs3A_102 = math.absf %sub3A_101 : vector<1024x128xf32>
    %min3A_103 = arith.minimumf %min3A_95, %abs3A_102 : vector<1024x128xf32>
    %get3A_104 = arith.constant 0 : index
    %get3A_105 = arith.constant 1664 : index
    %get3A_106 = vector.load %arg1[%get3A_104, %get3A_105] : memref<1x4096xf32, #tpu.memory_space<vmem>>, vector<1x128xf32>
    %sub3A_107 = vector.broadcast %get3A_106 : vector<1x128xf32> to vector<1024x128xf32>
    %sub3A_108 = vector.broadcast %get3A_3 : vector<1024x1xf32> to vector<1024x128xf32>
    %sub3A_109 = arith.subf %sub3A_107, %sub3A_108 : vector<1024x128xf32>
    %abs3A_110 = math.absf %sub3A_109 : vector<1024x128xf32>
    %min3A_111 = arith.minimumf %min3A_103, %abs3A_110 : vector<1024x128xf32>
    %get3A_112 = arith.constant 0 : index
    %get3A_113 = arith.constant 1792 : index
    %get3A_114 = vector.load %arg1[%get3A_112, %get3A_113] : memref<1x4096xf32, #tpu.memory_space<vmem>>, vector<1x128xf32>
    %sub3A_115 = vector.broadcast %get3A_114 : vector<1x128xf32> to vector<1024x128xf32>
    %sub3A_116 = vector.broadcast %get3A_3 : vector<1024x1xf32> to vector<1024x128xf32>
    %sub3A_117 = arith.subf %sub3A_115, %sub3A_116 : vector<1024x128xf32>
    %abs3A_118 = math.absf %sub3A_117 : vector<1024x128xf32>
    %min3A_119 = arith.minimumf %min3A_111, %abs3A_118 : vector<1024x128xf32>
    %get3A_120 = arith.constant 0 : index
    %get3A_121 = arith.constant 1920 : index
    %get3A_122 = vector.load %arg1[%get3A_120, %get3A_121] : memref<1x4096xf32, #tpu.memory_space<vmem>>, vector<1x128xf32>
    %sub3A_123 = vector.broadcast %get3A_122 : vector<1x128xf32> to vector<1024x128xf32>
    %sub3A_124 = vector.broadcast %get3A_3 : vector<1024x1xf32> to vector<1024x128xf32>
    %sub3A_125 = arith.subf %sub3A_123, %sub3A_124 : vector<1024x128xf32>
    %abs3A_126 = math.absf %sub3A_125 : vector<1024x128xf32>
    %min3A_127 = arith.minimumf %min3A_119, %abs3A_126 : vector<1024x128xf32>
    %get3A_128 = arith.constant 0 : index
    %get3A_129 = arith.constant 2048 : index
    %get3A_130 = vector.load %arg1[%get3A_128, %get3A_129] : memref<1x4096xf32, #tpu.memory_space<vmem>>, vector<1x128xf32>
    %sub3A_131 = vector.broadcast %get3A_130 : vector<1x128xf32> to vector<1024x128xf32>
    %sub3A_132 = vector.broadcast %get3A_3 : vector<1024x1xf32> to vector<1024x128xf32>
    %sub3A_133 = arith.subf %sub3A_131, %sub3A_132 : vector<1024x128xf32>
    %abs3A_134 = math.absf %sub3A_133 : vector<1024x128xf32>
    %min3A_135 = arith.minimumf %min3A_127, %abs3A_134 : vector<1024x128xf32>
    %get3A_136 = arith.constant 0 : index
    %get3A_137 = arith.constant 2176 : index
    %get3A_138 = vector.load %arg1[%get3A_136, %get3A_137] : memref<1x4096xf32, #tpu.memory_space<vmem>>, vector<1x128xf32>
    %sub3A_139 = vector.broadcast %get3A_138 : vector<1x128xf32> to vector<1024x128xf32>
    %sub3A_140 = vector.broadcast %get3A_3 : vector<1024x1xf32> to vector<1024x128xf32>
    %sub3A_141 = arith.subf %sub3A_139, %sub3A_140 : vector<1024x128xf32>
    %abs3A_142 = math.absf %sub3A_141 : vector<1024x128xf32>
    %min3A_143 = arith.minimumf %min3A_135, %abs3A_142 : vector<1024x128xf32>
    %get3A_144 = arith.constant 0 : index
    %get3A_145 = arith.constant 2304 : index
    %get3A_146 = vector.load %arg1[%get3A_144, %get3A_145] : memref<1x4096xf32, #tpu.memory_space<vmem>>, vector<1x128xf32>
    %sub3A_147 = vector.broadcast %get3A_146 : vector<1x128xf32> to vector<1024x128xf32>
    %sub3A_148 = vector.broadcast %get3A_3 : vector<1024x1xf32> to vector<1024x128xf32>
    %sub3A_149 = arith.subf %sub3A_147, %sub3A_148 : vector<1024x128xf32>
    %abs3A_150 = math.absf %sub3A_149 : vector<1024x128xf32>
    %min3A_151 = arith.minimumf %min3A_143, %abs3A_150 : vector<1024x128xf32>
    %get3A_152 = arith.constant 0 : index
    %get3A_153 = arith.constant 2432 : index
    %get3A_154 = vector.load %arg1[%get3A_152, %get3A_153] : memref<1x4096xf32, #tpu.memory_space<vmem>>, vector<1x128xf32>
    %sub3A_155 = vector.broadcast %get3A_154 : vector<1x128xf32> to vector<1024x128xf32>
    %sub3A_156 = vector.broadcast %get3A_3 : vector<1024x1xf32> to vector<1024x128xf32>
    %sub3A_157 = arith.subf %sub3A_155, %sub3A_156 : vector<1024x128xf32>
    %abs3A_158 = math.absf %sub3A_157 : vector<1024x128xf32>
    %min3A_159 = arith.minimumf %min3A_151, %abs3A_158 : vector<1024x128xf32>
    %get3A_160 = arith.constant 0 : index
    %get3A_161 = arith.constant 2560 : index
    %get3A_162 = vector.load %arg1[%get3A_160, %get3A_161] : memref<1x4096xf32, #tpu.memory_space<vmem>>, vector<1x128xf32>
    %sub3A_163 = vector.broadcast %get3A_162 : vector<1x128xf32> to vector<1024x128xf32>
    %sub3A_164 = vector.broadcast %get3A_3 : vector<1024x1xf32> to vector<1024x128xf32>
    %sub3A_165 = arith.subf %sub3A_163, %sub3A_164 : vector<1024x128xf32>
    %abs3A_166 = math.absf %sub3A_165 : vector<1024x128xf32>
    %min3A_167 = arith.minimumf %min3A_159, %abs3A_166 : vector<1024x128xf32>
    %get3A_168 = arith.constant 0 : index
    %get3A_169 = arith.constant 2688 : index
    %get3A_170 = vector.load %arg1[%get3A_168, %get3A_169] : memref<1x4096xf32, #tpu.memory_space<vmem>>, vector<1x128xf32>
    %sub3A_171 = vector.broadcast %get3A_170 : vector<1x128xf32> to vector<1024x128xf32>
    %sub3A_172 = vector.broadcast %get3A_3 : vector<1024x1xf32> to vector<1024x128xf32>
    %sub3A_173 = arith.subf %sub3A_171, %sub3A_172 : vector<1024x128xf32>
    %abs3A_174 = math.absf %sub3A_173 : vector<1024x128xf32>
    %min3A_175 = arith.minimumf %min3A_167, %abs3A_174 : vector<1024x128xf32>
    %get3A_176 = arith.constant 0 : index
    %get3A_177 = arith.constant 2816 : index
    %get3A_178 = vector.load %arg1[%get3A_176, %get3A_177] : memref<1x4096xf32, #tpu.memory_space<vmem>>, vector<1x128xf32>
    %sub3A_179 = vector.broadcast %get3A_178 : vector<1x128xf32> to vector<1024x128xf32>
    %sub3A_180 = vector.broadcast %get3A_3 : vector<1024x1xf32> to vector<1024x128xf32>
    %sub3A_181 = arith.subf %sub3A_179, %sub3A_180 : vector<1024x128xf32>
    %abs3A_182 = math.absf %sub3A_181 : vector<1024x128xf32>
    %min3A_183 = arith.minimumf %min3A_175, %abs3A_182 : vector<1024x128xf32>
    %get3A_184 = arith.constant 0 : index
    %get3A_185 = arith.constant 2944 : index
    %get3A_186 = vector.load %arg1[%get3A_184, %get3A_185] : memref<1x4096xf32, #tpu.memory_space<vmem>>, vector<1x128xf32>
    %sub3A_187 = vector.broadcast %get3A_186 : vector<1x128xf32> to vector<1024x128xf32>
    %sub3A_188 = vector.broadcast %get3A_3 : vector<1024x1xf32> to vector<1024x128xf32>
    %sub3A_189 = arith.subf %sub3A_187, %sub3A_188 : vector<1024x128xf32>
    %abs3A_190 = math.absf %sub3A_189 : vector<1024x128xf32>
    %min3A_191 = arith.minimumf %min3A_183, %abs3A_190 : vector<1024x128xf32>
    %get3A_192 = arith.constant 0 : index
    %get3A_193 = arith.constant 3072 : index
    %get3A_194 = vector.load %arg1[%get3A_192, %get3A_193] : memref<1x4096xf32, #tpu.memory_space<vmem>>, vector<1x128xf32>
    %sub3A_195 = vector.broadcast %get3A_194 : vector<1x128xf32> to vector<1024x128xf32>
    %sub3A_196 = vector.broadcast %get3A_3 : vector<1024x1xf32> to vector<1024x128xf32>
    %sub3A_197 = arith.subf %sub3A_195, %sub3A_196 : vector<1024x128xf32>
    %abs3A_198 = math.absf %sub3A_197 : vector<1024x128xf32>
    %min3A_199 = arith.minimumf %min3A_191, %abs3A_198 : vector<1024x128xf32>
    %get3A_200 = arith.constant 0 : index
    %get3A_201 = arith.constant 3200 : index
    %get3A_202 = vector.load %arg1[%get3A_200, %get3A_201] : memref<1x4096xf32, #tpu.memory_space<vmem>>, vector<1x128xf32>
    %sub3A_203 = vector.broadcast %get3A_202 : vector<1x128xf32> to vector<1024x128xf32>
    %sub3A_204 = vector.broadcast %get3A_3 : vector<1024x1xf32> to vector<1024x128xf32>
    %sub3A_205 = arith.subf %sub3A_203, %sub3A_204 : vector<1024x128xf32>
    %abs3A_206 = math.absf %sub3A_205 : vector<1024x128xf32>
    %min3A_207 = arith.minimumf %min3A_199, %abs3A_206 : vector<1024x128xf32>
    %get3A_208 = arith.constant 0 : index
    %get3A_209 = arith.constant 3328 : index
    %get3A_210 = vector.load %arg1[%get3A_208, %get3A_209] : memref<1x4096xf32, #tpu.memory_space<vmem>>, vector<1x128xf32>
    %sub3A_211 = vector.broadcast %get3A_210 : vector<1x128xf32> to vector<1024x128xf32>
    %sub3A_212 = vector.broadcast %get3A_3 : vector<1024x1xf32> to vector<1024x128xf32>
    %sub3A_213 = arith.subf %sub3A_211, %sub3A_212 : vector<1024x128xf32>
    %abs3A_214 = math.absf %sub3A_213 : vector<1024x128xf32>
    %min3A_215 = arith.minimumf %min3A_207, %abs3A_214 : vector<1024x128xf32>
    %get3A_216 = arith.constant 0 : index
    %get3A_217 = arith.constant 3456 : index
    %get3A_218 = vector.load %arg1[%get3A_216, %get3A_217] : memref<1x4096xf32, #tpu.memory_space<vmem>>, vector<1x128xf32>
    %sub3A_219 = vector.broadcast %get3A_218 : vector<1x128xf32> to vector<1024x128xf32>
    %sub3A_220 = vector.broadcast %get3A_3 : vector<1024x1xf32> to vector<1024x128xf32>
    %sub3A_221 = arith.subf %sub3A_219, %sub3A_220 : vector<1024x128xf32>
    %abs3A_222 = math.absf %sub3A_221 : vector<1024x128xf32>
    %min3A_223 = arith.minimumf %min3A_215, %abs3A_222 : vector<1024x128xf32>
    %get3A_224 = arith.constant 0 : index
    %get3A_225 = arith.constant 3584 : index
    %get3A_226 = vector.load %arg1[%get3A_224, %get3A_225] : memref<1x4096xf32, #tpu.memory_space<vmem>>, vector<1x128xf32>
    %sub3A_227 = vector.broadcast %get3A_226 : vector<1x128xf32> to vector<1024x128xf32>
    %sub3A_228 = vector.broadcast %get3A_3 : vector<1024x1xf32> to vector<1024x128xf32>
    %sub3A_229 = arith.subf %sub3A_227, %sub3A_228 : vector<1024x128xf32>
    %abs3A_230 = math.absf %sub3A_229 : vector<1024x128xf32>
    %min3A_231 = arith.minimumf %min3A_223, %abs3A_230 : vector<1024x128xf32>
    %get3A_232 = arith.constant 0 : index
    %get3A_233 = arith.constant 3712 : index
    %get3A_234 = vector.load %arg1[%get3A_232, %get3A_233] : memref<1x4096xf32, #tpu.memory_space<vmem>>, vector<1x128xf32>
    %sub3A_235 = vector.broadcast %get3A_234 : vector<1x128xf32> to vector<1024x128xf32>
    %sub3A_236 = vector.broadcast %get3A_3 : vector<1024x1xf32> to vector<1024x128xf32>
    %sub3A_237 = arith.subf %sub3A_235, %sub3A_236 : vector<1024x128xf32>
    %abs3A_238 = math.absf %sub3A_237 : vector<1024x128xf32>
    %min3A_239 = arith.minimumf %min3A_231, %abs3A_238 : vector<1024x128xf32>
    %get3A_240 = arith.constant 0 : index
    %get3A_241 = arith.constant 3840 : index
    %get3A_242 = vector.load %arg1[%get3A_240, %get3A_241] : memref<1x4096xf32, #tpu.memory_space<vmem>>, vector<1x128xf32>
    %sub3A_243 = vector.broadcast %get3A_242 : vector<1x128xf32> to vector<1024x128xf32>
    %sub3A_244 = vector.broadcast %get3A_3 : vector<1024x1xf32> to vector<1024x128xf32>
    %sub3A_245 = arith.subf %sub3A_243, %sub3A_244 : vector<1024x128xf32>
    %abs3A_246 = math.absf %sub3A_245 : vector<1024x128xf32>
    %min3A_247 = arith.minimumf %min3A_239, %abs3A_246 : vector<1024x128xf32>
    %get3A_248 = arith.constant 0 : index
    %get3A_249 = arith.constant 3968 : index
    %get3A_250 = vector.load %arg1[%get3A_248, %get3A_249] : memref<1x4096xf32, #tpu.memory_space<vmem>>, vector<1x128xf32>
    %sub3A_251 = vector.broadcast %get3A_250 : vector<1x128xf32> to vector<1024x128xf32>
    %sub3A_252 = vector.broadcast %get3A_3 : vector<1024x1xf32> to vector<1024x128xf32>
    %sub3A_253 = arith.subf %sub3A_251, %sub3A_252 : vector<1024x128xf32>
    %abs3A_254 = math.absf %sub3A_253 : vector<1024x128xf32>
    %min3A_255 = arith.minimumf %min3A_247, %abs3A_254 : vector<1024x128xf32>
    %iota3A_256 = tpu.iota {dimensions = array<i32: 1>} : vector<1024x128xi32>
    %broadcast_in_dim3A = arith.constant 0.000000e+00 : f32
    %broadcast_in_dim3A_257 = vector.broadcast %broadcast_in_dim3A : f32 to vector<1024x1xf32>
    %eq3A = vector.broadcast %broadcast_in_dim3A_257 : vector<1024x1xf32> to vector<1024x128xf32>
    %eq3A_258 = arith.cmpf oeq, %min3A_255, %eq3A : vector<1024x128xf32>
    %jit3A = arith.constant 128 : i32
    %broadcast_in_dim3A_259 = vector.broadcast %jit3A : i32 to vector<1024x128xi32>
    %select_n3A = arith.select %eq3A_258, %iota3A_256, %broadcast_in_dim3A_259 : vector<1024x128xi1>, vector<1024x128xi32>
    %reduce_min3A = arith.constant dense<2147483647> : vector<1024xi32>
    %reduce_min3A_260 = vector.multi_reduction <minsi>, %select_n3A, %reduce_min3A [1] : vector<1024x128xi32> to vector<1024xi32>
    %broadcast_in_dim3A_261 = vector.shape_cast %reduce_min3A_260 : vector<1024xi32> to vector<1024x1xi32>
    %eq3A_262 = vector.broadcast %broadcast_in_dim3A_261 : vector<1024x1xi32> to vector<1024x128xi32>
    %eq3A_263 = arith.cmpi eq, %iota3A_256, %eq3A_262 : vector<1024x128xi32>
    %jit3A_264 = arith.constant 0x7F800000 : f32
    %broadcast_in_dim3A_265 = vector.broadcast %jit3A_264 : f32 to vector<1024x128xf32>
    %select_n3A_266 = arith.select %eq3A_263, %broadcast_in_dim3A_265, %min3A_255 : vector<1024x128xi1>, vector<1024x128xf32>
    %reduce_min3A_267 = arith.constant dense<0x7F800000> : vector<1024xf32>
    %reduce_min3A_268 = vector.multi_reduction <minimumf>, %select_n3A_266, %reduce_min3A_267 [1] : vector<1024x128xf32> to vector<1024xf32>
    %broadcast_in_dim3A_269 = vector.shape_cast %reduce_min3A_268 : vector<1024xf32> to vector<1024x1xf32>
    %eq3A_270 = vector.broadcast %broadcast_in_dim3A_269 : vector<1024x1xf32> to vector<1024x128xf32>
    %eq3A_271 = arith.cmpf oeq, %select_n3A_266, %eq3A_270 : vector<1024x128xf32>
    %jit3A_272 = arith.constant 128 : i32
    %broadcast_in_dim3A_273 = vector.broadcast %jit3A_272 : i32 to vector<1024x128xi32>
    %select_n3A_274 = arith.select %eq3A_271, %iota3A_256, %broadcast_in_dim3A_273 : vector<1024x128xi1>, vector<1024x128xi32>
    %reduce_min3A_275 = arith.constant dense<2147483647> : vector<1024xi32>
    %reduce_min3A_276 = vector.multi_reduction <minsi>, %select_n3A_274, %reduce_min3A_275 [1] : vector<1024x128xi32> to vector<1024xi32>
    %broadcast_in_dim3A_277 = vector.shape_cast %reduce_min3A_276 : vector<1024xi32> to vector<1024x1xi32>
    %eq3A_278 = vector.broadcast %broadcast_in_dim3A_277 : vector<1024x1xi32> to vector<1024x128xi32>
    %eq3A_279 = arith.cmpi eq, %iota3A_256, %eq3A_278 : vector<1024x128xi32>
    %jit3A_280 = arith.constant 0x7F800000 : f32
    %broadcast_in_dim3A_281 = vector.broadcast %jit3A_280 : f32 to vector<1024x128xf32>
    %select_n3A_282 = arith.select %eq3A_279, %broadcast_in_dim3A_281, %select_n3A_266 : vector<1024x128xi1>, vector<1024x128xf32>
    %reduce_min3A_283 = arith.constant dense<0x7F800000> : vector<1024xf32>
    %reduce_min3A_284 = vector.multi_reduction <minimumf>, %select_n3A_282, %reduce_min3A_283 [1] : vector<1024x128xf32> to vector<1024xf32>
    %broadcast_in_dim3A_285 = vector.shape_cast %reduce_min3A_284 : vector<1024xf32> to vector<1024x1xf32>
    %eq3A_286 = vector.broadcast %broadcast_in_dim3A_285 : vector<1024x1xf32> to vector<1024x128xf32>
    %eq3A_287 = arith.cmpf oeq, %select_n3A_282, %eq3A_286 : vector<1024x128xf32>
    %jit3A_288 = arith.constant 128 : i32
    %broadcast_in_dim3A_289 = vector.broadcast %jit3A_288 : i32 to vector<1024x128xi32>
    %select_n3A_290 = arith.select %eq3A_287, %iota3A_256, %broadcast_in_dim3A_289 : vector<1024x128xi1>, vector<1024x128xi32>
    %reduce_min3A_291 = arith.constant dense<2147483647> : vector<1024xi32>
    %reduce_min3A_292 = vector.multi_reduction <minsi>, %select_n3A_290, %reduce_min3A_291 [1] : vector<1024x128xi32> to vector<1024xi32>
    %broadcast_in_dim3A_293 = vector.shape_cast %reduce_min3A_292 : vector<1024xi32> to vector<1024x1xi32>
    %eq3A_294 = vector.broadcast %broadcast_in_dim3A_293 : vector<1024x1xi32> to vector<1024x128xi32>
    %eq3A_295 = arith.cmpi eq, %iota3A_256, %eq3A_294 : vector<1024x128xi32>
    %jit3A_296 = arith.constant 0x7F800000 : f32
    %broadcast_in_dim3A_297 = vector.broadcast %jit3A_296 : f32 to vector<1024x128xf32>
    %select_n3A_298 = arith.select %eq3A_295, %broadcast_in_dim3A_297, %select_n3A_282 : vector<1024x128xi1>, vector<1024x128xf32>
    %reduce_min3A_299 = arith.constant dense<0x7F800000> : vector<1024xf32>
    %reduce_min3A_300 = vector.multi_reduction <minimumf>, %select_n3A_298, %reduce_min3A_299 [1] : vector<1024x128xf32> to vector<1024xf32>
    %broadcast_in_dim3A_301 = vector.shape_cast %reduce_min3A_300 : vector<1024xf32> to vector<1024x1xf32>
    %eq3A_302 = vector.broadcast %broadcast_in_dim3A_301 : vector<1024x1xf32> to vector<1024x128xf32>
    %eq3A_303 = arith.cmpf oeq, %select_n3A_298, %eq3A_302 : vector<1024x128xf32>
    %jit3A_304 = arith.constant 128 : i32
    %broadcast_in_dim3A_305 = vector.broadcast %jit3A_304 : i32 to vector<1024x128xi32>
    %select_n3A_306 = arith.select %eq3A_303, %iota3A_256, %broadcast_in_dim3A_305 : vector<1024x128xi1>, vector<1024x128xi32>
    %reduce_min3A_307 = arith.constant dense<2147483647> : vector<1024xi32>
    %reduce_min3A_308 = vector.multi_reduction <minsi>, %select_n3A_306, %reduce_min3A_307 [1] : vector<1024x128xi32> to vector<1024xi32>
    %broadcast_in_dim3A_309 = vector.shape_cast %reduce_min3A_308 : vector<1024xi32> to vector<1024x1xi32>
    %iota3A_310 = tpu.iota {dimensions = array<i32: 1>} : vector<1024x32xi32>
    %eq3A_311 = vector.broadcast %broadcast_in_dim3A_261 : vector<1024x1xi32> to vector<1024x128xi32>
    %eq3A_312 = arith.cmpi eq, %iota3A_256, %eq3A_311 : vector<1024x128xi32>
    %jit3A_313 = arith.constant 1.000000e+00 : f32
    %jit3A_314 = arith.constant 0.000000e+00 : f32
    %broadcast_in_dim3A_315 = vector.broadcast %jit3A_313 : f32 to vector<1024x128xf32>
    %broadcast_in_dim3A_316 = vector.broadcast %jit3A_314 : f32 to vector<1024x128xf32>
    %select_n3A_317 = arith.select %eq3A_312, %broadcast_in_dim3A_315, %broadcast_in_dim3A_316 : vector<1024x128xi1>, vector<1024x128xf32>
    %get3A_318 = arith.constant 0 : index
    %get3A_319 = arith.constant 0 : index
    %get3A_320 = vector.load %arg2[%get3A_318, %get3A_319] : memref<128x32xf32, #tpu.memory_space<vmem>>, vector<128x32xf32>
    %dot_general3A = arith.constant dense<0.000000e+00> : vector<1024x32xf32>
    %dot_general3A_321 = tpu.matmul %select_n3A_317, %get3A_320, %dot_general3A {dimension_numbers = #tpu.dot_dimension_numbers<[1], [0], [0], [1], [0, 0, 1, 1], [], []>, precision = #tpu.contract_precision<fp32>, transpose_lhs_hint = false} : vector<1024x128xf32>, vector<128x32xf32>, vector<1024x32xf32> -> vector<1024x32xf32>
    %mul3A_322 = arith.constant 128 : i32
    %mul3A_323 = vector.broadcast %mul3A_322 : i32 to vector<1024x32xi32>
    %mul3A_324 = arith.muli %iota3A_310, %mul3A_323 : vector<1024x32xi32>
    %add3A_325 = vector.broadcast %broadcast_in_dim3A_261 : vector<1024x1xi32> to vector<1024x32xi32>
    %add3A_326 = arith.addi %mul3A_324, %add3A_325 : vector<1024x32xi32>
    %eq3A_327 = vector.broadcast %add3A_1 : vector<1024x1xi32> to vector<1024x32xi32>
    %eq3A_328 = arith.cmpi eq, %add3A_326, %eq3A_327 : vector<1024x32xi32>
    %sub3A_329 = vector.broadcast %get3A_3 : vector<1024x1xf32> to vector<1024x32xf32>
    %sub3A_330 = arith.subf %dot_general3A_321, %sub3A_329 : vector<1024x32xf32>
    %abs3A_331 = math.absf %sub3A_330 : vector<1024x32xf32>
    %jit3A_332 = arith.constant 0x7F800000 : f32
    %broadcast_in_dim3A_333 = vector.broadcast %jit3A_332 : f32 to vector<1024x32xf32>
    %select_n3A_334 = arith.select %eq3A_328, %broadcast_in_dim3A_333, %abs3A_331 : vector<1024x32xi1>, vector<1024x32xf32>
    %eq3A_335 = vector.broadcast %broadcast_in_dim3A_277 : vector<1024x1xi32> to vector<1024x128xi32>
    %eq3A_336 = arith.cmpi eq, %iota3A_256, %eq3A_335 : vector<1024x128xi32>
    %jit3A_337 = arith.constant 1.000000e+00 : f32
    %jit3A_338 = arith.constant 0.000000e+00 : f32
    %broadcast_in_dim3A_339 = vector.broadcast %jit3A_337 : f32 to vector<1024x128xf32>
    %broadcast_in_dim3A_340 = vector.broadcast %jit3A_338 : f32 to vector<1024x128xf32>
    %select_n3A_341 = arith.select %eq3A_336, %broadcast_in_dim3A_339, %broadcast_in_dim3A_340 : vector<1024x128xi1>, vector<1024x128xf32>
    %get3A_342 = arith.constant 0 : index
    %get3A_343 = arith.constant 0 : index
    %get3A_344 = vector.load %arg2[%get3A_342, %get3A_343] : memref<128x32xf32, #tpu.memory_space<vmem>>, vector<128x32xf32>
    %dot_general3A_345 = arith.constant dense<0.000000e+00> : vector<1024x32xf32>
    %dot_general3A_346 = tpu.matmul %select_n3A_341, %get3A_344, %dot_general3A_345 {dimension_numbers = #tpu.dot_dimension_numbers<[1], [0], [0], [1], [0, 0, 1, 1], [], []>, precision = #tpu.contract_precision<fp32>, transpose_lhs_hint = false} : vector<1024x128xf32>, vector<128x32xf32>, vector<1024x32xf32> -> vector<1024x32xf32>
    %mul3A_347 = arith.constant 128 : i32
    %mul3A_348 = vector.broadcast %mul3A_347 : i32 to vector<1024x32xi32>
    %mul3A_349 = arith.muli %iota3A_310, %mul3A_348 : vector<1024x32xi32>
    %add3A_350 = vector.broadcast %broadcast_in_dim3A_277 : vector<1024x1xi32> to vector<1024x32xi32>
    %add3A_351 = arith.addi %mul3A_349, %add3A_350 : vector<1024x32xi32>
    %eq3A_352 = vector.broadcast %add3A_1 : vector<1024x1xi32> to vector<1024x32xi32>
    %eq3A_353 = arith.cmpi eq, %add3A_351, %eq3A_352 : vector<1024x32xi32>
    %sub3A_354 = vector.broadcast %get3A_3 : vector<1024x1xf32> to vector<1024x32xf32>
    %sub3A_355 = arith.subf %dot_general3A_346, %sub3A_354 : vector<1024x32xf32>
    %abs3A_356 = math.absf %sub3A_355 : vector<1024x32xf32>
    %jit3A_357 = arith.constant 0x7F800000 : f32
    %broadcast_in_dim3A_358 = vector.broadcast %jit3A_357 : f32 to vector<1024x32xf32>
    %select_n3A_359 = arith.select %eq3A_353, %broadcast_in_dim3A_358, %abs3A_356 : vector<1024x32xi1>, vector<1024x32xf32>
    %eq3A_360 = vector.broadcast %broadcast_in_dim3A_293 : vector<1024x1xi32> to vector<1024x128xi32>
    %eq3A_361 = arith.cmpi eq, %iota3A_256, %eq3A_360 : vector<1024x128xi32>
    %jit3A_362 = arith.constant 1.000000e+00 : f32
    %jit3A_363 = arith.constant 0.000000e+00 : f32
    %broadcast_in_dim3A_364 = vector.broadcast %jit3A_362 : f32 to vector<1024x128xf32>
    %broadcast_in_dim3A_365 = vector.broadcast %jit3A_363 : f32 to vector<1024x128xf32>
    %select_n3A_366 = arith.select %eq3A_361, %broadcast_in_dim3A_364, %broadcast_in_dim3A_365 : vector<1024x128xi1>, vector<1024x128xf32>
    %get3A_367 = arith.constant 0 : index
    %get3A_368 = arith.constant 0 : index
    %get3A_369 = vector.load %arg2[%get3A_367, %get3A_368] : memref<128x32xf32, #tpu.memory_space<vmem>>, vector<128x32xf32>
    %dot_general3A_370 = arith.constant dense<0.000000e+00> : vector<1024x32xf32>
    %dot_general3A_371 = tpu.matmul %select_n3A_366, %get3A_369, %dot_general3A_370 {dimension_numbers = #tpu.dot_dimension_numbers<[1], [0], [0], [1], [0, 0, 1, 1], [], []>, precision = #tpu.contract_precision<fp32>, transpose_lhs_hint = false} : vector<1024x128xf32>, vector<128x32xf32>, vector<1024x32xf32> -> vector<1024x32xf32>
    %mul3A_372 = arith.constant 128 : i32
    %mul3A_373 = vector.broadcast %mul3A_372 : i32 to vector<1024x32xi32>
    %mul3A_374 = arith.muli %iota3A_310, %mul3A_373 : vector<1024x32xi32>
    %add3A_375 = vector.broadcast %broadcast_in_dim3A_293 : vector<1024x1xi32> to vector<1024x32xi32>
    %add3A_376 = arith.addi %mul3A_374, %add3A_375 : vector<1024x32xi32>
    %eq3A_377 = vector.broadcast %add3A_1 : vector<1024x1xi32> to vector<1024x32xi32>
    %eq3A_378 = arith.cmpi eq, %add3A_376, %eq3A_377 : vector<1024x32xi32>
    %sub3A_379 = vector.broadcast %get3A_3 : vector<1024x1xf32> to vector<1024x32xf32>
    %sub3A_380 = arith.subf %dot_general3A_371, %sub3A_379 : vector<1024x32xf32>
    %abs3A_381 = math.absf %sub3A_380 : vector<1024x32xf32>
    %jit3A_382 = arith.constant 0x7F800000 : f32
    %broadcast_in_dim3A_383 = vector.broadcast %jit3A_382 : f32 to vector<1024x32xf32>
    %select_n3A_384 = arith.select %eq3A_378, %broadcast_in_dim3A_383, %abs3A_381 : vector<1024x32xi1>, vector<1024x32xf32>
    %eq3A_385 = vector.broadcast %broadcast_in_dim3A_309 : vector<1024x1xi32> to vector<1024x128xi32>
    %eq3A_386 = arith.cmpi eq, %iota3A_256, %eq3A_385 : vector<1024x128xi32>
    %jit3A_387 = arith.constant 1.000000e+00 : f32
    %jit3A_388 = arith.constant 0.000000e+00 : f32
    %broadcast_in_dim3A_389 = vector.broadcast %jit3A_387 : f32 to vector<1024x128xf32>
    %broadcast_in_dim3A_390 = vector.broadcast %jit3A_388 : f32 to vector<1024x128xf32>
    %select_n3A_391 = arith.select %eq3A_386, %broadcast_in_dim3A_389, %broadcast_in_dim3A_390 : vector<1024x128xi1>, vector<1024x128xf32>
    %get3A_392 = arith.constant 0 : index
    %get3A_393 = arith.constant 0 : index
    %get3A_394 = vector.load %arg2[%get3A_392, %get3A_393] : memref<128x32xf32, #tpu.memory_space<vmem>>, vector<128x32xf32>
    %dot_general3A_395 = arith.constant dense<0.000000e+00> : vector<1024x32xf32>
    %dot_general3A_396 = tpu.matmul %select_n3A_391, %get3A_394, %dot_general3A_395 {dimension_numbers = #tpu.dot_dimension_numbers<[1], [0], [0], [1], [0, 0, 1, 1], [], []>, precision = #tpu.contract_precision<fp32>, transpose_lhs_hint = false} : vector<1024x128xf32>, vector<128x32xf32>, vector<1024x32xf32> -> vector<1024x32xf32>
    %mul3A_397 = arith.constant 128 : i32
    %mul3A_398 = vector.broadcast %mul3A_397 : i32 to vector<1024x32xi32>
    %mul3A_399 = arith.muli %iota3A_310, %mul3A_398 : vector<1024x32xi32>
    %add3A_400 = vector.broadcast %broadcast_in_dim3A_309 : vector<1024x1xi32> to vector<1024x32xi32>
    %add3A_401 = arith.addi %mul3A_399, %add3A_400 : vector<1024x32xi32>
    %eq3A_402 = vector.broadcast %add3A_1 : vector<1024x1xi32> to vector<1024x32xi32>
    %eq3A_403 = arith.cmpi eq, %add3A_401, %eq3A_402 : vector<1024x32xi32>
    %sub3A_404 = vector.broadcast %get3A_3 : vector<1024x1xf32> to vector<1024x32xf32>
    %sub3A_405 = arith.subf %dot_general3A_396, %sub3A_404 : vector<1024x32xf32>
    %abs3A_406 = math.absf %sub3A_405 : vector<1024x32xf32>
    %jit3A_407 = arith.constant 0x7F800000 : f32
    %broadcast_in_dim3A_408 = vector.broadcast %jit3A_407 : f32 to vector<1024x32xf32>
    %select_n3A_409 = arith.select %eq3A_403, %broadcast_in_dim3A_408, %abs3A_406 : vector<1024x32xi1>, vector<1024x32xf32>
    %broadcast_in_dim3A_410 = arith.constant 1.000000e+00 : f32
    %broadcast_in_dim3A_411 = vector.broadcast %broadcast_in_dim3A_410 : f32 to vector<1024x1xf32>
    %min3A_412 = arith.minimumf %select_n3A_334, %select_n3A_359 : vector<1024x32xf32>
    %min3A_413 = arith.minimumf %select_n3A_384, %select_n3A_409 : vector<1024x32xf32>
    %min3A_414 = arith.minimumf %min3A_412, %min3A_413 : vector<1024x32xf32>
    %reduce_min3A_415 = arith.constant dense<0x7F800000> : vector<1024xf32>
    %reduce_min3A_416 = vector.multi_reduction <minimumf>, %min3A_414, %reduce_min3A_415 [1] : vector<1024x32xf32> to vector<1024xf32>
    %broadcast_in_dim3A_417 = vector.shape_cast %reduce_min3A_416 : vector<1024xf32> to vector<1024x1xf32>
    %eq3A_418 = vector.broadcast %broadcast_in_dim3A_417 : vector<1024x1xf32> to vector<1024x32xf32>
    %eq3A_419 = arith.cmpf oeq, %select_n3A_334, %eq3A_418 : vector<1024x32xf32>
    %jit3A_420 = arith.constant 4096 : i32
    %broadcast_in_dim3A_421 = vector.broadcast %jit3A_420 : i32 to vector<1024x32xi32>
    %select_n3A_422 = arith.select %eq3A_419, %add3A_326, %broadcast_in_dim3A_421 : vector<1024x32xi1>, vector<1024x32xi32>
    %eq3A_423 = vector.broadcast %broadcast_in_dim3A_417 : vector<1024x1xf32> to vector<1024x32xf32>
    %eq3A_424 = arith.cmpf oeq, %select_n3A_359, %eq3A_423 : vector<1024x32xf32>
    %jit3A_425 = arith.constant 4096 : i32
    %broadcast_in_dim3A_426 = vector.broadcast %jit3A_425 : i32 to vector<1024x32xi32>
    %select_n3A_427 = arith.select %eq3A_424, %add3A_351, %broadcast_in_dim3A_426 : vector<1024x32xi1>, vector<1024x32xi32>
    %eq3A_428 = vector.broadcast %broadcast_in_dim3A_417 : vector<1024x1xf32> to vector<1024x32xf32>
    %eq3A_429 = arith.cmpf oeq, %select_n3A_384, %eq3A_428 : vector<1024x32xf32>
    %jit3A_430 = arith.constant 4096 : i32
    %broadcast_in_dim3A_431 = vector.broadcast %jit3A_430 : i32 to vector<1024x32xi32>
    %select_n3A_432 = arith.select %eq3A_429, %add3A_376, %broadcast_in_dim3A_431 : vector<1024x32xi1>, vector<1024x32xi32>
    %eq3A_433 = vector.broadcast %broadcast_in_dim3A_417 : vector<1024x1xf32> to vector<1024x32xf32>
    %eq3A_434 = arith.cmpf oeq, %select_n3A_409, %eq3A_433 : vector<1024x32xf32>
    %jit3A_435 = arith.constant 4096 : i32
    %broadcast_in_dim3A_436 = vector.broadcast %jit3A_435 : i32 to vector<1024x32xi32>
    %select_n3A_437 = arith.select %eq3A_434, %add3A_401, %broadcast_in_dim3A_436 : vector<1024x32xi1>, vector<1024x32xi32>
    %min3A_438 = arith.minsi %select_n3A_422, %select_n3A_427 : vector<1024x32xi32>
    %min3A_439 = arith.minsi %select_n3A_432, %select_n3A_437 : vector<1024x32xi32>
    %min3A_440 = arith.minsi %min3A_438, %min3A_439 : vector<1024x32xi32>
    %reduce_min3A_441 = arith.constant dense<2147483647> : vector<1024xi32>
    %reduce_min3A_442 = vector.multi_reduction <minsi>, %min3A_440, %reduce_min3A_441 [1] : vector<1024x32xi32> to vector<1024xi32>
    %broadcast_in_dim3A_443 = vector.shape_cast %reduce_min3A_442 : vector<1024xi32> to vector<1024x1xi32>
    %mul3A_444 = arith.mulf %broadcast_in_dim3A_417, %broadcast_in_dim3A_417 : vector<1024x1xf32>
    %neg3A = arith.constant 0.000000e+00 : f32
    %neg3A_445 = vector.broadcast %neg3A : f32 to vector<1024x1xf32>
    %neg3A_446 = arith.subf %neg3A_445, %mul3A_444 : vector<1024x1xf32>
    %mul3A_447 = arith.constant 2.000000e-02 : f32
    %mul3A_448 = vector.broadcast %mul3A_447 : f32 to vector<1024x1xf32>
    %mul3A_449 = arith.mulf %neg3A_446, %mul3A_448 : vector<1024x1xf32>
    %exp3A = math.exp %mul3A_449 : vector<1024x1xf32>
    %eq3A_450 = vector.broadcast %broadcast_in_dim3A_443 : vector<1024x1xi32> to vector<1024x32xi32>
    %eq3A_451 = arith.cmpi eq, %add3A_326, %eq3A_450 : vector<1024x32xi32>
    %jit3A_452 = arith.constant 0x7F800000 : f32
    %broadcast_in_dim3A_453 = vector.broadcast %jit3A_452 : f32 to vector<1024x32xf32>
    %select_n3A_454 = arith.select %eq3A_451, %broadcast_in_dim3A_453, %select_n3A_334 : vector<1024x32xi1>, vector<1024x32xf32>
    %eq3A_455 = vector.broadcast %broadcast_in_dim3A_443 : vector<1024x1xi32> to vector<1024x32xi32>
    %eq3A_456 = arith.cmpi eq, %add3A_351, %eq3A_455 : vector<1024x32xi32>
    %jit3A_457 = arith.constant 0x7F800000 : f32
    %broadcast_in_dim3A_458 = vector.broadcast %jit3A_457 : f32 to vector<1024x32xf32>
    %select_n3A_459 = arith.select %eq3A_456, %broadcast_in_dim3A_458, %select_n3A_359 : vector<1024x32xi1>, vector<1024x32xf32>
    %eq3A_460 = vector.broadcast %broadcast_in_dim3A_443 : vector<1024x1xi32> to vector<1024x32xi32>
    %eq3A_461 = arith.cmpi eq, %add3A_376, %eq3A_460 : vector<1024x32xi32>
    %jit3A_462 = arith.constant 0x7F800000 : f32
    %broadcast_in_dim3A_463 = vector.broadcast %jit3A_462 : f32 to vector<1024x32xf32>
    %select_n3A_464 = arith.select %eq3A_461, %broadcast_in_dim3A_463, %select_n3A_384 : vector<1024x32xi1>, vector<1024x32xf32>
    %eq3A_465 = vector.broadcast %broadcast_in_dim3A_443 : vector<1024x1xi32> to vector<1024x32xi32>
    %eq3A_466 = arith.cmpi eq, %add3A_401, %eq3A_465 : vector<1024x32xi32>
    %jit3A_467 = arith.constant 0x7F800000 : f32
    %broadcast_in_dim3A_468 = vector.broadcast %jit3A_467 : f32 to vector<1024x32xf32>
    %select_n3A_469 = arith.select %eq3A_466, %broadcast_in_dim3A_468, %select_n3A_409 : vector<1024x32xi1>, vector<1024x32xf32>
    %min3A_470 = arith.minimumf %select_n3A_454, %select_n3A_459 : vector<1024x32xf32>
    %min3A_471 = arith.minimumf %select_n3A_464, %select_n3A_469 : vector<1024x32xf32>
    %min3A_472 = arith.minimumf %min3A_470, %min3A_471 : vector<1024x32xf32>
    %reduce_min3A_473 = arith.constant dense<0x7F800000> : vector<1024xf32>
    %reduce_min3A_474 = vector.multi_reduction <minimumf>, %min3A_472, %reduce_min3A_473 [1] : vector<1024x32xf32> to vector<1024xf32>
    %broadcast_in_dim3A_475 = vector.shape_cast %reduce_min3A_474 : vector<1024xf32> to vector<1024x1xf32>
    %eq3A_476 = vector.broadcast %broadcast_in_dim3A_475 : vector<1024x1xf32> to vector<1024x32xf32>
    %eq3A_477 = arith.cmpf oeq, %select_n3A_454, %eq3A_476 : vector<1024x32xf32>
    %jit3A_478 = arith.constant 4096 : i32
    %broadcast_in_dim3A_479 = vector.broadcast %jit3A_478 : i32 to vector<1024x32xi32>
    %select_n3A_480 = arith.select %eq3A_477, %add3A_326, %broadcast_in_dim3A_479 : vector<1024x32xi1>, vector<1024x32xi32>
    %eq3A_481 = vector.broadcast %broadcast_in_dim3A_475 : vector<1024x1xf32> to vector<1024x32xf32>
    %eq3A_482 = arith.cmpf oeq, %select_n3A_459, %eq3A_481 : vector<1024x32xf32>
    %jit3A_483 = arith.constant 4096 : i32
    %broadcast_in_dim3A_484 = vector.broadcast %jit3A_483 : i32 to vector<1024x32xi32>
    %select_n3A_485 = arith.select %eq3A_482, %add3A_351, %broadcast_in_dim3A_484 : vector<1024x32xi1>, vector<1024x32xi32>
    %eq3A_486 = vector.broadcast %broadcast_in_dim3A_475 : vector<1024x1xf32> to vector<1024x32xf32>
    %eq3A_487 = arith.cmpf oeq, %select_n3A_464, %eq3A_486 : vector<1024x32xf32>
    %jit3A_488 = arith.constant 4096 : i32
    %broadcast_in_dim3A_489 = vector.broadcast %jit3A_488 : i32 to vector<1024x32xi32>
    %select_n3A_490 = arith.select %eq3A_487, %add3A_376, %broadcast_in_dim3A_489 : vector<1024x32xi1>, vector<1024x32xi32>
    %eq3A_491 = vector.broadcast %broadcast_in_dim3A_475 : vector<1024x1xf32> to vector<1024x32xf32>
    %eq3A_492 = arith.cmpf oeq, %select_n3A_469, %eq3A_491 : vector<1024x32xf32>
    %jit3A_493 = arith.constant 4096 : i32
    %broadcast_in_dim3A_494 = vector.broadcast %jit3A_493 : i32 to vector<1024x32xi32>
    %select_n3A_495 = arith.select %eq3A_492, %add3A_401, %broadcast_in_dim3A_494 : vector<1024x32xi1>, vector<1024x32xi32>
    %min3A_496 = arith.minsi %select_n3A_480, %select_n3A_485 : vector<1024x32xi32>
    %min3A_497 = arith.minsi %select_n3A_490, %select_n3A_495 : vector<1024x32xi32>
    %min3A_498 = arith.minsi %min3A_496, %min3A_497 : vector<1024x32xi32>
    %reduce_min3A_499 = arith.constant dense<2147483647> : vector<1024xi32>
    %reduce_min3A_500 = vector.multi_reduction <minsi>, %min3A_498, %reduce_min3A_499 [1] : vector<1024x32xi32> to vector<1024xi32>
    %broadcast_in_dim3A_501 = vector.shape_cast %reduce_min3A_500 : vector<1024xi32> to vector<1024x1xi32>
    %mul3A_502 = arith.mulf %broadcast_in_dim3A_475, %broadcast_in_dim3A_475 : vector<1024x1xf32>
    %neg3A_503 = arith.constant 0.000000e+00 : f32
    %neg3A_504 = vector.broadcast %neg3A_503 : f32 to vector<1024x1xf32>
    %neg3A_505 = arith.subf %neg3A_504, %mul3A_502 : vector<1024x1xf32>
    %mul3A_506 = arith.constant 2.000000e-02 : f32
    %mul3A_507 = vector.broadcast %mul3A_506 : f32 to vector<1024x1xf32>
    %mul3A_508 = arith.mulf %neg3A_505, %mul3A_507 : vector<1024x1xf32>
    %exp3A_509 = math.exp %mul3A_508 : vector<1024x1xf32>
    %eq3A_510 = vector.broadcast %broadcast_in_dim3A_501 : vector<1024x1xi32> to vector<1024x32xi32>
    %eq3A_511 = arith.cmpi eq, %add3A_326, %eq3A_510 : vector<1024x32xi32>
    %jit3A_512 = arith.constant 0x7F800000 : f32
    %broadcast_in_dim3A_513 = vector.broadcast %jit3A_512 : f32 to vector<1024x32xf32>
    %select_n3A_514 = arith.select %eq3A_511, %broadcast_in_dim3A_513, %select_n3A_454 : vector<1024x32xi1>, vector<1024x32xf32>
    %eq3A_515 = vector.broadcast %broadcast_in_dim3A_501 : vector<1024x1xi32> to vector<1024x32xi32>
    %eq3A_516 = arith.cmpi eq, %add3A_351, %eq3A_515 : vector<1024x32xi32>
    %jit3A_517 = arith.constant 0x7F800000 : f32
    %broadcast_in_dim3A_518 = vector.broadcast %jit3A_517 : f32 to vector<1024x32xf32>
    %select_n3A_519 = arith.select %eq3A_516, %broadcast_in_dim3A_518, %select_n3A_459 : vector<1024x32xi1>, vector<1024x32xf32>
    %eq3A_520 = vector.broadcast %broadcast_in_dim3A_501 : vector<1024x1xi32> to vector<1024x32xi32>
    %eq3A_521 = arith.cmpi eq, %add3A_376, %eq3A_520 : vector<1024x32xi32>
    %jit3A_522 = arith.constant 0x7F800000 : f32
    %broadcast_in_dim3A_523 = vector.broadcast %jit3A_522 : f32 to vector<1024x32xf32>
    %select_n3A_524 = arith.select %eq3A_521, %broadcast_in_dim3A_523, %select_n3A_464 : vector<1024x32xi1>, vector<1024x32xf32>
    %eq3A_525 = vector.broadcast %broadcast_in_dim3A_501 : vector<1024x1xi32> to vector<1024x32xi32>
    %eq3A_526 = arith.cmpi eq, %add3A_401, %eq3A_525 : vector<1024x32xi32>
    %jit3A_527 = arith.constant 0x7F800000 : f32
    %broadcast_in_dim3A_528 = vector.broadcast %jit3A_527 : f32 to vector<1024x32xf32>
    %select_n3A_529 = arith.select %eq3A_526, %broadcast_in_dim3A_528, %select_n3A_469 : vector<1024x32xi1>, vector<1024x32xf32>
    %min3A_530 = arith.minimumf %select_n3A_514, %select_n3A_519 : vector<1024x32xf32>
    %min3A_531 = arith.minimumf %select_n3A_524, %select_n3A_529 : vector<1024x32xf32>
    %min3A_532 = arith.minimumf %min3A_530, %min3A_531 : vector<1024x32xf32>
    %reduce_min3A_533 = arith.constant dense<0x7F800000> : vector<1024xf32>
    %reduce_min3A_534 = vector.multi_reduction <minimumf>, %min3A_532, %reduce_min3A_533 [1] : vector<1024x32xf32> to vector<1024xf32>
    %broadcast_in_dim3A_535 = vector.shape_cast %reduce_min3A_534 : vector<1024xf32> to vector<1024x1xf32>
    %eq3A_536 = vector.broadcast %broadcast_in_dim3A_535 : vector<1024x1xf32> to vector<1024x32xf32>
    %eq3A_537 = arith.cmpf oeq, %select_n3A_514, %eq3A_536 : vector<1024x32xf32>
    %jit3A_538 = arith.constant 4096 : i32
    %broadcast_in_dim3A_539 = vector.broadcast %jit3A_538 : i32 to vector<1024x32xi32>
    %select_n3A_540 = arith.select %eq3A_537, %add3A_326, %broadcast_in_dim3A_539 : vector<1024x32xi1>, vector<1024x32xi32>
    %eq3A_541 = vector.broadcast %broadcast_in_dim3A_535 : vector<1024x1xf32> to vector<1024x32xf32>
    %eq3A_542 = arith.cmpf oeq, %select_n3A_519, %eq3A_541 : vector<1024x32xf32>
    %jit3A_543 = arith.constant 4096 : i32
    %broadcast_in_dim3A_544 = vector.broadcast %jit3A_543 : i32 to vector<1024x32xi32>
    %select_n3A_545 = arith.select %eq3A_542, %add3A_351, %broadcast_in_dim3A_544 : vector<1024x32xi1>, vector<1024x32xi32>
    %eq3A_546 = vector.broadcast %broadcast_in_dim3A_535 : vector<1024x1xf32> to vector<1024x32xf32>
    %eq3A_547 = arith.cmpf oeq, %select_n3A_524, %eq3A_546 : vector<1024x32xf32>
    %jit3A_548 = arith.constant 4096 : i32
    %broadcast_in_dim3A_549 = vector.broadcast %jit3A_548 : i32 to vector<1024x32xi32>
    %select_n3A_550 = arith.select %eq3A_547, %add3A_376, %broadcast_in_dim3A_549 : vector<1024x32xi1>, vector<1024x32xi32>
    %eq3A_551 = vector.broadcast %broadcast_in_dim3A_535 : vector<1024x1xf32> to vector<1024x32xf32>
    %eq3A_552 = arith.cmpf oeq, %select_n3A_529, %eq3A_551 : vector<1024x32xf32>
    %jit3A_553 = arith.constant 4096 : i32
    %broadcast_in_dim3A_554 = vector.broadcast %jit3A_553 : i32 to vector<1024x32xi32>
    %select_n3A_555 = arith.select %eq3A_552, %add3A_401, %broadcast_in_dim3A_554 : vector<1024x32xi1>, vector<1024x32xi32>
    %min3A_556 = arith.minsi %select_n3A_540, %select_n3A_545 : vector<1024x32xi32>
    %min3A_557 = arith.minsi %select_n3A_550, %select_n3A_555 : vector<1024x32xi32>
    %min3A_558 = arith.minsi %min3A_556, %min3A_557 : vector<1024x32xi32>
    %reduce_min3A_559 = arith.constant dense<2147483647> : vector<1024xi32>
    %reduce_min3A_560 = vector.multi_reduction <minsi>, %min3A_558, %reduce_min3A_559 [1] : vector<1024x32xi32> to vector<1024xi32>
    %broadcast_in_dim3A_561 = vector.shape_cast %reduce_min3A_560 : vector<1024xi32> to vector<1024x1xi32>
    %mul3A_562 = arith.mulf %broadcast_in_dim3A_535, %broadcast_in_dim3A_535 : vector<1024x1xf32>
    %neg3A_563 = arith.constant 0.000000e+00 : f32
    %neg3A_564 = vector.broadcast %neg3A_563 : f32 to vector<1024x1xf32>
    %neg3A_565 = arith.subf %neg3A_564, %mul3A_562 : vector<1024x1xf32>
    %mul3A_566 = arith.constant 2.000000e-02 : f32
    %mul3A_567 = vector.broadcast %mul3A_566 : f32 to vector<1024x1xf32>
    %mul3A_568 = arith.mulf %neg3A_565, %mul3A_567 : vector<1024x1xf32>
    %exp3A_569 = math.exp %mul3A_568 : vector<1024x1xf32>
    %add3A_570 = arith.addf %broadcast_in_dim3A_411, %exp3A : vector<1024x1xf32>
    %add3A_571 = arith.addf %add3A_570, %exp3A_509 : vector<1024x1xf32>
    %add3A_572 = arith.addf %add3A_571, %exp3A_569 : vector<1024x1xf32>
    %div3A = arith.constant 1.000000e+00 : f32
    %div3A_573 = vector.broadcast %div3A : f32 to vector<1024x1xf32>
    %div3A_574 = arith.divf %div3A_573, %add3A_572 : vector<1024x1xf32>
    %swap3A = arith.constant 0 : index
    %swap3A_575 = arith.constant 0 : index
    %swap3A_576 = vector.load %arg4[%swap3A, %swap3A_575] : memref<1024x1xi32, #tpu.memory_space<vmem>>, vector<1024x1xi32>
    tpu.vector_store %arg4[%swap3A, %swap3A_575], %broadcast_in_dim3A_443 {strides = array<i32>} : memref<1024x1xi32, #tpu.memory_space<vmem>>, vector<1024x1xi32>,
    %swap3A_577 = arith.constant 0 : index
    %swap3A_578 = arith.constant 0 : index
    %swap3A_579 = vector.load %arg5[%swap3A_577, %swap3A_578] : memref<1024x1xi32, #tpu.memory_space<vmem>>, vector<1024x1xi32>
    tpu.vector_store %arg5[%swap3A_577, %swap3A_578], %broadcast_in_dim3A_501 {strides = array<i32>} : memref<1024x1xi32, #tpu.memory_space<vmem>>, vector<1024x1xi32>,
    %swap3A_580 = arith.constant 0 : index
    %swap3A_581 = arith.constant 0 : index
    %swap3A_582 = vector.load %arg6[%swap3A_580, %swap3A_581] : memref<1024x1xi32, #tpu.memory_space<vmem>>, vector<1024x1xi32>
    tpu.vector_store %arg6[%swap3A_580, %swap3A_581], %broadcast_in_dim3A_561 {strides = array<i32>} : memref<1024x1xi32, #tpu.memory_space<vmem>>, vector<1024x1xi32>,
    %mul3A_583 = arith.mulf %broadcast_in_dim3A_411, %div3A_574 : vector<1024x1xf32>
    %swap3A_584 = arith.constant 0 : index
    %swap3A_585 = arith.constant 0 : index
    %swap3A_586 = vector.load %arg7[%swap3A_584, %swap3A_585] : memref<1024x1xf32, #tpu.memory_space<vmem>>, vector<1024x1xf32>
    tpu.vector_store %arg7[%swap3A_584, %swap3A_585], %mul3A_583 {strides = array<i32>} : memref<1024x1xf32, #tpu.memory_space<vmem>>, vector<1024x1xf32>,
    %mul3A_587 = arith.mulf %exp3A, %div3A_574 : vector<1024x1xf32>
    %swap3A_588 = arith.constant 0 : index
    %swap3A_589 = arith.constant 0 : index
    %swap3A_590 = vector.load %arg8[%swap3A_588, %swap3A_589] : memref<1024x1xf32, #tpu.memory_space<vmem>>, vector<1024x1xf32>
    tpu.vector_store %arg8[%swap3A_588, %swap3A_589], %mul3A_587 {strides = array<i32>} : memref<1024x1xf32, #tpu.memory_space<vmem>>, vector<1024x1xf32>,
    %mul3A_591 = arith.mulf %exp3A_509, %div3A_574 : vector<1024x1xf32>
    %swap3A_592 = arith.constant 0 : index
    %swap3A_593 = arith.constant 0 : index
    %swap3A_594 = vector.load %arg9[%swap3A_592, %swap3A_593] : memref<1024x1xf32, #tpu.memory_space<vmem>>, vector<1024x1xf32>
    tpu.vector_store %arg9[%swap3A_592, %swap3A_593], %mul3A_591 {strides = array<i32>} : memref<1024x1xf32, #tpu.memory_space<vmem>>, vector<1024x1xf32>,
    %mul3A_595 = arith.mulf %exp3A_569, %div3A_574 : vector<1024x1xf32>
    %swap3A_596 = arith.constant 0 : index
    %swap3A_597 = arith.constant 0 : index
    %swap3A_598 = vector.load %arg10[%swap3A_596, %swap3A_597] : memref<1024x1xf32, #tpu.memory_space<vmem>>, vector<1024x1xf32>
    tpu.vector_store %arg10[%swap3A_596, %swap3A_597], %mul3A_595 {strides = array<i32>} : memref<1024x1xf32, #tpu.memory_space<vmem>>, vector<1024x1xf32>,
    return
  }
  func.func @transform_0(%arg0: i32) -> (i32, i32) {
    %c0_i32 = arith.constant 0 : i32
    %c0_i32_0 = arith.constant 0 : i32
    %c0_i32_1 = arith.constant 0 : i32
    return %c0_i32, %c0_i32_0 : i32, i32
  }
  func.func @transform_1(%arg0: i32) -> (i32, i32) {
    %c0_i32 = arith.constant 0 : i32
    %c0_i32_0 = arith.constant 0 : i32
    %c0_i32_1 = arith.constant 0 : i32
    return %c0_i32, %c0_i32_0 : i32, i32
  }
  func.func @transform_2(%arg0: i32) -> (i32, i32) {
    %c0_i32 = arith.constant 0 : i32
    %c0_i32_0 = arith.constant 0 : i32
    return %arg0, %c0_i32 : i32, i32
  }
  func.func @transform_3(%arg0: i32) -> (i32, i32) {
    %c0_i32 = arith.constant 0 : i32
    %c0_i32_0 = arith.constant 0 : i32
    return %arg0, %c0_i32 : i32, i32
  }
  func.func @transform_4(%arg0: i32) -> (i32, i32) {
    %c0_i32 = arith.constant 0 : i32
    %c0_i32_0 = arith.constant 0 : i32
    return %arg0, %c0_i32 : i32, i32
  }
  func.func @transform_5(%arg0: i32) -> (i32, i32) {
    %c0_i32 = arith.constant 0 : i32
    %c0_i32_0 = arith.constant 0 : i32
    return %arg0, %c0_i32 : i32, i32
  }
  func.func @transform_6(%arg0: i32) -> (i32, i32) {
    %c0_i32 = arith.constant 0 : i32
    %c0_i32_0 = arith.constant 0 : i32
    return %arg0, %c0_i32 : i32, i32
  }
  func.func @transform_7(%arg0: i32) -> (i32, i32) {
    %c0_i32 = arith.constant 0 : i32
    %c0_i32_0 = arith.constant 0 : i32
    return %arg0, %c0_i32 : i32, i32
  }
  func.func @transform_8(%arg0: i32) -> (i32, i32) {
    %c0_i32 = arith.constant 0 : i32
    %c0_i32_0 = arith.constant 0 : i32
    return %arg0, %c0_i32 : i32, i32
  }
  func.func @transform_9(%arg0: i32) -> (i32, i32) {
    %c0_i32 = arith.constant 0 : i32
    %c0_i32_0 = arith.constant 0 : i32
    return %arg0, %c0_i32 : i32, i32
  }
}

</mosaic_0001>

<sc_bundles>
// kernel: kernel.5.cloned.1.call-start
scs
__scs_entry_jumppad:
0x0: {  	(pc) =	sbr.rel $0x88, $3  }
0x1: {  	(tag) =	ssettag $0x0;
	lr =	simm.s32 $0x1  }
0x2: {  	[smem:$0x3F9F] =	sst lr;
	_ =	strace $0xD0000000  }
0x3: {  	_ = 	snop  }
0x4: {  	_ = 	snop  }
0x5: {  	_ = 	snop  }
0x6: {  	_ = 	snop  }
0x7: {  	_ = 	snop  }
__scs_overlays_trampoline_lowered:
0x8: {  	[smem:$0x3FAE] =	sst s0  }
0x9: {  	[smem:$0x3FAF] =	sst s1  }
0xa: {  	[smem:$0x3FB0] =	sst s2  }
0xb: {  	[smem:$0x3FB1] =	sst s3  }
0xc: {  	[smem:$0x3FB2] =	sst s4  }
0xd: {  	[smem:$0x3FB3] =	sst s5  }
0xe: {  	[smem:$0x3FB4] =	sst s6  }
0xf: {  	[smem:$0x3FB5] =	sst s7  }
0x10: {  	[smem:$0x3FB6] =	sst s8  }
0x11: {  	[smem:$0x3FB7] =	sst s9;
	s0 =	simm.s32 @!p0 $0x0  }
0x12: {  	s1 =	sld [smem:$0x3F9D];
	s0 =	simm.s32 @p0 $0x1  }
0x13: {  	[smem:$0x3FB8] =	sst s0;
	s0 =	simm.s32 @!p1 $0x0  }
0x14: {  	s2 =	sld [smem:$0x3F9C];
	s0 =	simm.s32 @p1 $0x1  }
0x15: {  	[smem:$0x3FB9] =	sst s0;
	s0 =	simm.s32 @!p2 $0x0  }
0x16: {  	s3 =	sld [smem:$0x3FDB];
	s0 =	simm.s32 @p2 $0x1  }
0x17: {  	s4 =	simm.s32 $0x1BF5;
	[smem:$0x3FBB] =	sst s0  }
0x18: {  	s0 =	sld [smem:$0x3F9E];
	_ =	swait.ge [sflag:s4], $0x0  }
0x19: {  	s7 =	sld [smem:$0x3F9F]  }
0x1a: {  	s8 =	sadd.s32 $0xFFFFE003, lr  }
0x1b: {  	s9 =	sadd.s32 $0xFFFFFEF7, lr;
	s5 =	simm.s32 $0xFFFFFFFF;
	p2 =	slt.u32 s8, $0xFFFFF086  }
0x1c: {  	p1 =	slt.u32 s9, $0xF7A;
	s5 =	simm.s32 @!p2 $0x0  }
0x1d: {  	s5 =	simm.s32 @p1 $0x1;
	p0 =	seq.s32 s7, s2  }
0x1e: {  	s7 =	smul.u32 @!p0 $0xF7A, s2;
	p2 =	seq.s32 @!p0 s5, $0x0  }
0x1f: {  	s9 =	smul.u32 $0xF7A, s1;
	s8 =	simm.s32 @!p0 $0x1BF5;
	p2 =	por !p2, p0  }
0x20: {  	[sflag:s8] =	ssyncset.s32 @!p0 $0xFFFFF086;
	s6 =	sadd.s32 @!p0 s3, s7;
	s7 =	simm.s32 @!p0 $0x108  }
0x21: {  	s3 =	sadd.s32 s3, s9;
	s6 =	sadd.s32 @!p0 $0x88, s6;
	s7 =	simm.s32 @p2 $0x1082  }
0x22: {  	[simem:s7], [sflag:s8] =	dma.local @!p0 [hbm:s6], $0xF7A  }
0x23: {  	s9 =	sor.u32 $0xD0000000, s2;
	s6 =	simm.s32 $0x108;
	_ =	swait.ge @!p0 [sflag:s8], $0x0  }
0x24: {  	s3 =	sadd.s32 $0x88, s3;
	s6 =	simm.s32 @!p1 $0x1082;
	[sflag:s4] =	ssyncset.s32 $0xFFFFF086  }
0x25: {  	[simem:s6], [sflag:s4] =	dma.local [hbm:s3], $0xF7A  }
0x26: {  	[smem:$0x3F9F] =	sst s1;
	(tag) =	ssettag s2;
	_ =	strace s9  }
0x27: {  	s1 =	sld [smem:$0x3FAF]  }
0x28: {  	s2 =	sld [smem:$0x3FB0]  }
0x29: {  	s4 =	sld [smem:$0x3FB2]  }
0x2a: {  	p0 =	seq.s32 s5, $0x0;
	s5 =	sld [smem:$0x3FB3]  }
0x2b: {  	s6 =	sld [smem:$0x3FB4]  }
0x2c: {  	s7 =	sld [smem:$0x3FB5]  }
0x2d: {  	s3 =	simm.s32 $0x108;
	s8 =	sld [smem:$0x3FB6]  }
0x2e: {  	s3 =	simm.s32 @!p0 $0x1082;
	s9 =	sld [smem:$0x3FB7]  }
0x2f: {  	lr =	sadd.s32 s0, s3;
	s0 =	sld [smem:$0x3FAE]  }
0x30: {  	s3 =	sld [smem:$0x3FB1]  }
0x31: {  	[smem:$0x3FBA] =	sst s10  }
0x32: {  	s10 =	sld [smem:$0x3FB8];
	_ =	sdelay $0x3  }
0x33: {  	p0 =	seq.s32 s10, $0x1;
	s10 =	sld [smem:$0x3FBA];
	_ =	sdelay $0x3  }
0x34: {  	[smem:$0x3FBA] =	sst s10  }
0x35: {  	s10 =	sld [smem:$0x3FB9];
	_ =	sdelay $0x3  }
0x36: {  	p1 =	seq.s32 s10, $0x1;
	s10 =	sld [smem:$0x3FBA];
	_ =	sdelay $0x3  }
0x37: {  	[smem:$0x3FBA] =	sst s10  }
0x38: {  	s10 =	sld [smem:$0x3FBB]  }
0x39: {  	_ = 	snop;
	(pc) =	sbr.ind lr, $3  }
0x3a: {  	_ = 	snop  }
0x3b: {  	_ = 	snop  }
0x3c: {  	p2 =	seq.s32 s10, $0x1;
	s10 =	sld [smem:$0x3FBA]  }
0x3d: {  	_ =	shalt  }
0x3e: {  	_ =	shalt  }
0x3f: {  	_ =	shalt  }
0x40: {  	_ =	shalt  }
0x41: {  	_ =	shalt  }
0x42: {  	_ =	shalt  }
0x43: {  	_ =	shalt  }
0x44: {  	_ =	shalt  }
0x45: {  	_ =	shalt  }
0x46: {  	_ =	shalt  }
0x47: {  	_ =	shalt  }
0x48: {  	_ =	shalt  }
0x49: {  	_ =	shalt  }
0x4a: {  	_ =	shalt  }
0x4b: {  	_ =	shalt  }
0x4c: {  	_ =	shalt  }
0x4d: {  	_ =	shalt  }
0x4e: {  	_ =	shalt  }
0x4f: {  	_ =	shalt  }
0x50: {  	_ =	shalt  }
0x51: {  	_ =	shalt  }
0x52: {  	_ =	shalt  }
0x53: {  	_ =	shalt  }
0x54: {  	_ =	shalt  }
0x55: {  	_ =	shalt  }
0x56: {  	_ =	shalt  }
0x57: {  	_ =	shalt  }
0x58: {  	_ =	shalt  }
0x59: {  	_ =	shalt  }
0x5a: {  	_ =	shalt  }
0x5b: {  	_ =	shalt  }
0x5c: {  	_ =	shalt  }
0x5d: {  	_ =	shalt  }
0x5e: {  	_ =	shalt  }
0x5f: {  	_ =	shalt  }
0x60: {  	_ =	shalt  }
0x61: {  	_ =	shalt  }
0x62: {  	_ =	shalt  }
0x63: {  	_ =	shalt  }
0x64: {  	_ =	shalt  }
0x65: {  	_ =	shalt  }
0x66: {  	_ =	shalt  }
0x67: {  	_ =	shalt  }
0x68: {  	_ =	shalt  }
0x69: {  	_ =	shalt  }
0x6a: {  	_ =	shalt  }
0x6b: {  	_ =	shalt  }
0x6c: {  	_ =	shalt  }
0x6d: {  	_ =	shalt  }
0x6e: {  	_ =	shalt  }
0x6f: {  	_ =	shalt  }
0x70: {  	_ =	shalt  }
0x71: {  	_ =	shalt  }
0x72: {  	_ =	shalt  }
0x73: {  	_ =	shalt  }
0x74: {  	_ =	shalt  }
0x75: {  	_ =	shalt  }
0x76: {  	_ =	shalt  }
0x77: {  	_ =	shalt  }
0x78: {  	_ =	shalt  }
0x79: {  	_ =	shalt  }
0x7a: {  	_ =	shalt  }
0x7b: {  	_ =	shalt  }
0x7c: {  	_ =	shalt  }
0x7d: {  	_ =	shalt  }
0x7e: {  	_ =	shalt  }
0x7f: {  	_ =	shalt  }
0x80: {  	_ =	shalt  }
0x81: {  	_ =	shalt  }
0x82: {  	_ =	shalt  }
0x83: {  	_ =	shalt  }
0x84: {  	_ =	shalt  }
0x85: {  	_ =	shalt  }
0x86: {  	_ =	shalt  }
0x87: {  	_ =	shalt  }
.Lfunc_end0:
.L_simem_size_0:
called_computation_lowered:
.L_overlay_start_0:
0x88: {  	s2 =	sld [smem:$0x3FD9]  }
0x89: {  	s3 =	sld [smem:$0x3FFE];
	_ =	sdelay $0x1  }
0x8a: {  	s1 =	srdreg.scid  }
0x8b: {  	s0 =	sand.u32 $0x1, s1  }
0x8c: {  	s17 =	sshll.u32 s0, $0xA;
	s2 =	sadd.s32 s3, s2  }
0x8d: {  	s2 =	sadd.s32 s2, s17  }
0x8e: {  	[smem:$0x3FC6] =	sst s2  }
0x8f: {  	_ = 	snop  }
0x90: {  	s2 =	sld [smem:$0x3FC9];
	(tm) =	ssettm $0x1  }
0x91: {  	s18 =	sld [smem:$0x3FFB];
	_ =	sdelay $0x3  }
0x92: {  	_ =	strace s18  }
0x93: {  	s3 =	sld [smem:$0x3FFC];
	_ =	sdelay $0x3  }
0x94: {  	_ =	strace s3  }
0x95: {  	s3 =	sld [smem:$0x3FFD];
	_ =	sdelay $0x3  }
0x96: {  	_ =	strace s3  }
0x97: {  	_ =	strace $0x8FFFFFFF  }
0x98: {  	s19 =	sld [smem:$0x3FDB];
	_ =	sdelay $0x1  }
0x99: {  	s4 =	simm.s32 $_scs_section_size  }
0x9a: {  	s5 =	simm.s32 $_size__tile_overlayer_lowered;
	s6 =	simm.s32 $_tile_overlayer_lowered  }
0x9b: {  	s22 =	simm.s32 $0x1BFF;
	s21 =	sshll.u32 s6, $0x1;
	s3 =	sadd.s32 s4, s19  }
0x9c: {  	s7 =	simm.s32 $0x0;
	s20 =	sshll.u32 s5, $0x1;
	s5 =	sadd.s32 s21, s3  }
0x9d: {  	[timem:s7], [sflag:s22] =	dma.local [hbm:s5], s20  }
0x9e: {  	_ =	swait.ge [sflag:s22], s20  }
0x9f: {  	s4 =	ssub.s32 $0x0, s20;
	[sflag:s22] =	ssyncset.done $0x0  }
0xa0: {  	[sflag:s22] =	ssyncadd.s32 s4;
	_ =	sdelay $0x1  }
0xa1: {  	s23 =	simm.s32 $0x1B8B  }
0xa2: {  	_ =	swait.ge [sflag:s23], $0x1  }
0xa3: {  	[sflag:s23] =	ssyncset.done $0x0  }
0xa4: {  	s25 =	simm.s32 $0x1B8E;
	s24 =	sld [smem:$0x3FFE];
	[sflag:s23] =	ssyncadd.s32 $0xFFFFFFFF  }
0xa5: {  	s26 =	simm.s32 $execute0_lowered;
	[smem:$0x3FD2] =	sst s25  }
0xa6: {  	s5 =	sshll.u32 s26, $0x1;
	_ =	strace $0x80000046;
	[dreg:$0x1] =	wrdreg $0xFFFFFFFF  }
0xa7: {  	s28 =	simm.s32 $_size_execute0_lowered;
	s3 =	sadd.s32 s3, s5;
	[dreg:$0x0] =	wrdreg $0x0  }
0xa8: {  	s5 =	sshll.u32 s28, $0x1;
	[dreg:$0x2] =	wrdreg s3  }
0xa9: {  	[dreg:$0x3] =	wrdreg s5  }
0xaa: {  	[dreg:$0x4] =	wrdreg $0xC0  }
0xab: {  	_ =	task [dreg:s7], $0x5FFFF  }
0xac: {  	[dreg:$0x1] =	wrdreg $0xFFFFFFFF  }
0xad: {  	[dreg:$0x0] =	wrdreg $0x60  }
0xae: {  	[dreg:$0x2] =	wrdreg s2  }
0xaf: {  	[dreg:$0x3] =	wrdreg s24  }
0xb0: {  	[dreg:$0x4] =	wrdreg $0x9  }
0xb1: {  	_ =	task.clear_ibuf [dreg:s7], $0x5FFFF;
	_ =	strace $0x90000046  }
0xb2: {  	s29 =	simm.s32 $0x9;
	_ =	strace $0x80000048  }
0xb3: {  	_ =	swait.ge [sflag:s29], $0x1  }
0xb4: {  	[sflag:s29] =	ssyncadd.s32 $0xFFFFFFFF  }
0xb5: {  	_ =	strace $0x90000048  }
0xb6: {  	_ =	sfence  }
0xb7: {  	s30 =	sld [smem:$0x0];
	_ =	sdelay $0x2  }
0xb8: {  	s31 =	sshll.u32 s1, $0xD;
	s1 =	sshrl.u32 s1, $0x2  }
0xb9: {  	s3 =	sand.u32 $0x4000, s31;
	s1 =	sadd.s32 s1, s30  }
0xba: {  	s0 =	sor.u32 s3, s0;
	s1 =	sshll.u32 s1, $0x11  }
0xbb: {  	s0 =	sor.u32 s1, s0  }
0xbc: {  	s0 =	sadd.s32 $0x8F2B, s0  }
0xbd: {  	[sflag:s0] =	ssyncadd.remote.s32 $0x1  }
0xbe: {  	_ =	sfence.sel $0xFFFF  }
0xbf: {  	[dreg:$0x0] =	wrdreg $0xFFFFFFFF;
	(pc) =	sbr.abs _section_cstart, $3  }
0xc0: {  	[dreg:$0x1] =	wrdreg $0xFFFFFFFF  }
0xc1: {  	_ =	task.clear_ibuf [dreg:s7], $0x2FFFF;
	_ =	strace $0x9FFFFFFF  }
0xc2: {  	(tm) =	ssettm $0x7FFFFFFF  }
0xc3: {  	_ =	shalt  }
tec
execute0_lowered:
.L_overlay_start_1:
0x0: {  	(tag) =	ssettag $0x1  }
0x1: {  	s2 =	rddreg [dreg:$0x0]  }
0x2: {  	s4 =	rddreg [dreg:$0x1];
	s3 =	simm.s32 $0x0  }
0x3: {  	s16 =	simm.s32 $0xC00;
	[smem:$0x7FF] =	sst s3  }
0x4: {  	s17 =	simm.s32 $0x1400;
	_ =	strace $0x80000047;
	[dreg:$0xf] =	wrdreg s16  }
0x5: {  	s18 =	simm.s32 $0x1C00;
	[dreg:$0x10] =	wrdreg s17  }
0x6: {  	s19 =	simm.s32 $0x2400;
	[dreg:$0x11] =	wrdreg s18  }
0x7: {  	s0 =	srdreg.scid;
	s20 =	simm.s32 $0x2C00;
	[dreg:$0x12] =	wrdreg s19  }
0x8: {  	s1 =	stileid.u32;
	s21 =	simm.s32 $0x3400;
	[dreg:$0x13] =	wrdreg s20  }
0x9: {  	s22 =	simm.s32 $0x3C00;
	s0 =	sand.u32 $0x1, s0;
	[dreg:$0x14] =	wrdreg s21  }
0xa: {  	s5 =	sshll.u32 s1, $0x8;
	[dreg:$0x15] =	wrdreg s22;
	s16 =	simm.s32 $0x200  }
0xb: {  	s23 =	sadd.s32 $0x200, s4;
	s17 =	simm.s32 $0xCC00;
	[smem:$0x7F4] =	sst s16  }
0xc: {  	s8 =	sadd.s32 $0x400, s4;
	s18 =	simm.s32 $0xD400;
	[smem:$0x7F5] =	sst s17  }
0xd: {  	s6 =	sshll.u32 s0, $0x7;
	s20 =	simm.s32 $0xDC00;
	[smem:$0x7F6] =	sst s18  }
0xe: {  	s21 =	simm.s32 $0xE400;
	s5 =	sor.u32 s6, s5;
	[smem:$0x7F7] =	sst s20  }
0xf: {  	s22 =	simm.s32 $0xEC00;
	[smem:$0x7F8] =	sst s21;
	s7 =	sshrl.u32 s5, $0x3  }
0x10: {  	s9 =	sadd.s32 $0x600, s4;
	[smem:$0x7F9] =	sst s22;
	s10 =	sadd.s32 s23, s7  }
0x11: {  	s11 =	sor.u32 $0x40, s5;
	s24 =	sadd.s32 s8, s7;
	[dreg:$0x3] =	wrdreg s10  }
0x12: {  	s7 =	sadd.s32 s9, s7;
	s25 =	sshrl.u32 s11, $0x3;
	[dreg:$0x4] =	wrdreg s24  }
0x13: {  	s13 =	sshll.u32 s11, $0x5;
	s11 =	simm.s32 $0x9C00;
	[dreg:$0x5] =	wrdreg s7  }
0x14: {  	s28 =	simm.s32 $0x2;
	s6 =	sadd.s32 s23, s25;
	[smem:$0x7EF] =	sst s11  }
0x15: {  	s26 =	sadd.s32 $0x800, s4;
	s1 =	sadd.s32 s8, s25;
	[dreg:$0x6] =	wrdreg s6  }
0x16: {  	s5 =	sshll.u32 s5, $0x5;
	s8 =	sadd.s32 s9, s25;
	[dreg:$0x7] =	wrdreg s1  }
0x17: {  	s29 =	simm.s32 $0x3;
	s10 =	sadd.s32 s26, s5;
	[dreg:$0x8] =	wrdreg s8  }
0x18: {  	s30 =	simm.s32 $0x4;
	s14 =	sadd.s32 s26, s13;
	[dreg:$0x9] =	wrdreg s10  }
0x19: {  	s31 =	simm.s32 $0x5;
	s23 =	simm.s32 $0x80;
	[dreg:$0xc] =	wrdreg s14  }
0x1a: {  	s0 =	ssub.s32 $0x2, s0;
	s24 =	simm.s32 $0x4C00;
	[dreg:$0x16] =	wrdreg s23  }
0x1b: {  	s19 =	sshrl.u32 s0, $0x1;
	s25 =	simm.s32 $0x5400;
	[dreg:$0x17] =	wrdreg s24  }
0x1c: {  	s16 =	simm.s32 $0x13C00;
	s26 =	simm.s32 $0x5C00;
	[dreg:$0x18] =	wrdreg s25  }
0x1d: {  	s9 =	sadd.s32 $0x20800, s4;
	s7 =	simm.s32 $0x7C00;
	[dreg:$0x19] =	wrdreg s26  }
0x1e: {  	s4 =	sadd.s32 $0x40800, s4;
	s12 =	sadd.s32 s9, s5;
	[dreg:$0x1d] =	wrdreg s7  }
0x1f: {  	s17 =	simm.s32 $0x300;
	s5 =	sadd.s32 s4, s5;
	[dreg:$0xa] =	wrdreg s12  }
0x20: {  	s18 =	simm.s32 $0x14400;
	s15 =	sadd.s32 s9, s13;
	[dreg:$0xb] =	wrdreg s5  }
0x21: {  	s20 =	simm.s32 $0x15400;
	s4 =	sadd.s32 s4, s13;
	[dreg:$0xd] =	wrdreg s15  }
0x22: {  	s21 =	simm.s32 $0x15C00;
	s1 =	simm.s32 $0x6400;
	[dreg:$0xe] =	wrdreg s4  }
0x23: {  	s22 =	simm.s32 $0x16400;
	s6 =	simm.s32 $0x7400;
	[dreg:$0x1a] =	wrdreg s1  }
0x24: {  	s0 =	ssub.s32 s0, s19;
	s8 =	simm.s32 $0x100;
	[dreg:$0x1c] =	wrdreg s6  }
0x25: {  	s19 =	simm.s32 $0x14C00;
	s9 =	simm.s32 $0x8C00;
	[dreg:$0x1e] =	wrdreg s8  }
0x26: {  	s10 =	simm.s32 $0x9400;
	s13 =	simm.s32 $0xAC00;
	[dreg:$0x1f] =	wrdreg s9  }
0x27: {  	s14 =	simm.s32 $0xB400;
	s23 =	simm.s32 $0xF400;
	[smem:$0x7EE] =	sst s10  }
0x28: {  	s24 =	simm.s32 $0xFC00;
	s7 =	simm.s32 $0x4400;
	[smem:$0x7F1] =	sst s13  }
0x29: {  	s25 =	simm.s32 $0x280;
	s26 =	simm.s32 $0x10C00;
	[smem:$0x7F2] =	sst s14  }
0x2a: {  	s5 =	simm.s32 $0x6C00;
	s12 =	simm.s32 $0xA400;
	[smem:$0x7FA] =	sst s23  }
0x2b: {  	s15 =	simm.s32 $0xBC00;
	s4 =	smax.u32 s0, $0x1;
	[smem:$0x7FB] =	sst s24  }
0x2c: {  	s6 =	simm.s32 $0x400;
	s8 =	simm.s32 $0x8400;
	[smem:$0x7FC] =	sst s25  }
0x2d: {  	s9 =	simm.s32 $0xC400;
	s10 =	simm.s32 $0x10400;
	[smem:$0x7FD] =	sst s26  }
0x2e: {  	s13 =	simm.s32 $0x12400;
	s14 =	simm.s32 $0x12C00;
	s23 =	simm.s32 $0x16C00  }
0x2f: {  	v2 =	vlaneseq.u32;
	s24 =	simm.s32 $0x17400;
	s25 =	simm.s32 $0x17C00;
	[dreg:$0x1b] =	wrdreg s5  }
0x30: {  	vm0 =	vmmov $0xffff;
	v1 =	vshrl.u32 v2, $0x3;
	s26 =	simm.s32 $0x1;
	s0 =	simm.s32 $0x6;
	[smem:$0x7F0] =	sst s12  }
0x31: {  	v0 =	vand.u32 $0x7, v2;
	v2 =	vor.u32 $0x8, v2;
	v1 =	vmul.u32 $0x8, v1;
	[smem:$0x7F3] =	sst s15;
	s5 =	simm.s32 $0x7;
	s15 =	simm.s32 $0x13400  }
.LBB2_1:
0x32: {  	s1 =	rddreg [dreg:$0x3]  }
0x33: {  	[tilespmem:s3], [sflag:$0x7] =	stream.linear.gather [hbm4b:s1+s3], $0x40, $0x38;
	[tilespmem:$0x18400] =	vst v63  }
0x34: {  	_ =	swait.ge [sflag:s5], $0x40  }
0x35: {  	[sflag:s5] =	ssyncset.done $0x0  }
0x36: {  	[sflag:s5] =	ssyncadd.s32 $0xFFFFFFC0  }
0x37: {  	v3 =	vld [tilespmem:$0x0];
	_ =	sdelay $0x4  }
0x38: {  	v4 =	vshll.u32 v3, $0x1  }
0x39: {  	v3 =	vand.u32 $0x7, v3;
	v4 =	vand.u32 $0xFFFFFFF0, v4  }
0x3a: {  	v3 =	vor.u32 v3, v4  }
0x3b: {  	v4 =	vperm.xlane v3, v0;
	_ =	sdelay $0x1  }
0x3c: {  	v3 =	vperm.xlane v3, v2;
	v4 =	vadd.s32 v1, v4;
	_ =	sdelay $0x1  }
0x3d: {  	v3 =	vadd.s32 v1, v3;
	_ =	sdelay $0x2  }
0x3e: {  	[tilespmem:s6], [sflag:$0x1] =	stream.indirect_vreg.gather [hbm4b:s2+s3], $0x80, v4, vm0, $0xb8;
	[tilespmem:$0x18400] =	vst v63  }
0x3f: {  	s11 =	rddreg [dreg:$0xf]  }
0x40: {  	[tilespmem:s11], [sflag:$0x1] =	stream.indirect_vreg.gather [hbm4b:s2+s3], $0x80, v3, vm0, $0xb8;
	[tilespmem:$0x18400] =	vst v63  }
0x41: {  	v3 =	vld [tilespmem:$0x10];
	_ =	sdelay $0x4  }
0x42: {  	v41 =	vshll.u32 v3, $0x1  }
0x43: {  	v3 =	vand.u32 $0x7, v3;
	v4 =	vand.u32 $0xFFFFFFF0, v41  }
0x44: {  	v3 =	vor.u32 v3, v4  }
0x45: {  	v4 =	vperm.xlane v3, v0;
	_ =	sdelay $0x1  }
0x46: {  	v3 =	vperm.xlane v3, v2;
	v4 =	vadd.s32 v1, v4;
	_ =	sdelay $0x1  }
0x47: {  	v3 =	vadd.s32 v1, v3;
	_ =	sdelay $0x1  }
0x48: {  	s12 =	rddreg [dreg:$0x10]  }
0x49: {  	[tilespmem:s12], [sflag:$0x1] =	stream.indirect_vreg.gather [hbm4b:s2+s3], $0x80, v4, vm0, $0xb8;
	[tilespmem:$0x18400] =	vst v63  }
0x4a: {  	s11 =	rddreg [dreg:$0x11]  }
0x4b: {  	[tilespmem:s11], [sflag:$0x1] =	stream.indirect_vreg.gather [hbm4b:s2+s3], $0x80, v3, vm0, $0xb8;
	[tilespmem:$0x18400] =	vst v63  }
0x4c: {  	v3 =	vld [tilespmem:$0x20];
	_ =	sdelay $0x4  }
0x4d: {  	v42 =	vshll.u32 v3, $0x1  }
0x4e: {  	v3 =	vand.u32 $0x7, v3;
	v4 =	vand.u32 $0xFFFFFFF0, v42  }
0x4f: {  	v3 =	vor.u32 v3, v4  }
0x50: {  	v4 =	vperm.xlane v3, v0;
	_ =	sdelay $0x1  }
0x51: {  	v3 =	vperm.xlane v3, v2;
	v4 =	vadd.s32 v1, v4;
	_ =	sdelay $0x1  }
0x52: {  	v3 =	vadd.s32 v1, v3;
	_ =	sdelay $0x1  }
0x53: {  	s11 =	rddreg [dreg:$0x12]  }
0x54: {  	[tilespmem:s11], [sflag:$0x1] =	stream.indirect_vreg.gather [hbm4b:s2+s3], $0x80, v4, vm0, $0xb8;
	[tilespmem:$0x18400] =	vst v63  }
0x55: {  	s12 =	rddreg [dreg:$0x13]  }
0x56: {  	[tilespmem:s12], [sflag:$0x1] =	stream.indirect_vreg.gather [hbm4b:s2+s3], $0x80, v3, vm0, $0xb8;
	[tilespmem:$0x18400] =	vst v63  }
0x57: {  	v3 =	vld [tilespmem:$0x30];
	_ =	sdelay $0x4  }
0x58: {  	v43 =	vshll.u32 v3, $0x1  }
0x59: {  	v3 =	vand.u32 $0x7, v3;
	v4 =	vand.u32 $0xFFFFFFF0, v43  }
0x5a: {  	v3 =	vor.u32 v3, v4  }
0x5b: {  	v4 =	vperm.xlane v3, v0;
	_ =	sdelay $0x1  }
0x5c: {  	v3 =	vperm.xlane v3, v2;
	v4 =	vadd.s32 v1, v4;
	_ =	sdelay $0x1  }
0x5d: {  	v3 =	vadd.s32 v1, v3  }
0x5e: {  	s1 =	rddreg [dreg:$0x15]  }
0x5f: {  	s11 =	rddreg [dreg:$0x14]  }
0x60: {  	[tilespmem:s11], [sflag:$0x1] =	stream.indirect_vreg.gather [hbm4b:s2+s3], $0x80, v4, vm0, $0xb8;
	[tilespmem:$0x18400] =	vst v63  }
0x61: {  	s12 =	rddreg [dreg:$0x16]  }
0x62: {  	[tilespmem:s1], [sflag:$0x1] =	stream.indirect_vreg.gather [hbm4b:s2+s3], $0x80, v3, vm0, $0xb8;
	[tilespmem:$0x18400] =	vst v63  }
0x63: {  	s11 =	rddreg [dreg:$0x4]  }
0x64: {  	[tilespmem:s12], [sflag:$0x7] =	stream.linear.gather [hbm4b:s11+s3], $0x40, $0x38;
	[tilespmem:$0x18400] =	vst v63  }
0x65: {  	_ =	swait.ge [sflag:s5], $0x40  }
0x66: {  	[sflag:s5] =	ssyncset.done $0x0  }
0x67: {  	[sflag:s5] =	ssyncadd.s32 $0xFFFFFFC0  }
0x68: {  	v3 =	vld [tilespmem:$0x80];
	_ =	sdelay $0x4  }
0x69: {  	v44 =	vshll.u32 v3, $0x1  }
0x6a: {  	v3 =	vand.u32 $0x7, v3;
	v4 =	vand.u32 $0xFFFFFFF0, v44  }
0x6b: {  	v3 =	vor.u32 v3, v4  }
0x6c: {  	v4 =	vperm.xlane v3, v0;
	_ =	sdelay $0x1  }
0x6d: {  	v3 =	vperm.xlane v3, v2;
	v4 =	vadd.s32 v1, v4;
	_ =	sdelay $0x1  }
0x6e: {  	v3 =	vadd.s32 v1, v3;
	_ =	sdelay $0x2  }
0x6f: {  	[tilespmem:s7], [sflag:$0x2] =	stream.indirect_vreg.gather [hbm4b:s2+s3], $0x80, v4, vm0, $0xb8;
	[tilespmem:$0x18400] =	vst v63  }
0x70: {  	s12 =	rddreg [dreg:$0x17]  }
0x71: {  	[tilespmem:s12], [sflag:$0x2] =	stream.indirect_vreg.gather [hbm4b:s2+s3], $0x80, v3, vm0, $0xb8;
	[tilespmem:$0x18400] =	vst v63  }
0x72: {  	v3 =	vld [tilespmem:$0x90];
	_ =	sdelay $0x4  }
0x73: {  	v45 =	vshll.u32 v3, $0x1  }
0x74: {  	v3 =	vand.u32 $0x7, v3;
	v4 =	vand.u32 $0xFFFFFFF0, v45  }
0x75: {  	v3 =	vor.u32 v3, v4  }
0x76: {  	v4 =	vperm.xlane v3, v0;
	_ =	sdelay $0x1  }
0x77: {  	v3 =	vperm.xlane v3, v2;
	v4 =	vadd.s32 v1, v4;
	_ =	sdelay $0x1  }
0x78: {  	v3 =	vadd.s32 v1, v3;
	_ =	sdelay $0x1  }
0x79: {  	s11 =	rddreg [dreg:$0x18]  }
0x7a: {  	[tilespmem:s11], [sflag:$0x2] =	stream.indirect_vreg.gather [hbm4b:s2+s3], $0x80, v4, vm0, $0xb8;
	[tilespmem:$0x18400] =	vst v63  }
0x7b: {  	s12 =	rddreg [dreg:$0x19]  }
0x7c: {  	[tilespmem:s12], [sflag:$0x2] =	stream.indirect_vreg.gather [hbm4b:s2+s3], $0x80, v3, vm0, $0xb8;
	[tilespmem:$0x18400] =	vst v63  }
0x7d: {  	v3 =	vld [tilespmem:$0xA0];
	_ =	sdelay $0x4  }
0x7e: {  	v46 =	vshll.u32 v3, $0x1  }
0x7f: {  	v3 =	vand.u32 $0x7, v3;
	v4 =	vand.u32 $0xFFFFFFF0, v46  }
0x80: {  	v3 =	vor.u32 v3, v4  }
0x81: {  	v4 =	vperm.xlane v3, v0;
	_ =	sdelay $0x1  }
0x82: {  	v3 =	vperm.xlane v3, v2;
	v4 =	vadd.s32 v1, v4;
	_ =	sdelay $0x1  }
0x83: {  	v3 =	vadd.s32 v1, v3;
	_ =	sdelay $0x1  }
0x84: {  	s11 =	rddreg [dreg:$0x1a]  }
0x85: {  	[tilespmem:s11], [sflag:$0x2] =	stream.indirect_vreg.gather [hbm4b:s2+s3], $0x80, v4, vm0, $0xb8;
	[tilespmem:$0x18400] =	vst v63  }
0x86: {  	s12 =	rddreg [dreg:$0x1b]  }
0x87: {  	[tilespmem:s12], [sflag:$0x2] =	stream.indirect_vreg.gather [hbm4b:s2+s3], $0x80, v3, vm0, $0xb8;
	[tilespmem:$0x18400] =	vst v63  }
0x88: {  	v3 =	vld [tilespmem:$0xB0];
	_ =	sdelay $0x4  }
0x89: {  	v47 =	vshll.u32 v3, $0x1  }
0x8a: {  	v3 =	vand.u32 $0x7, v3;
	v4 =	vand.u32 $0xFFFFFFF0, v47  }
0x8b: {  	v3 =	vor.u32 v3, v4  }
0x8c: {  	v4 =	vperm.xlane v3, v0;
	_ =	sdelay $0x1  }
0x8d: {  	v3 =	vperm.xlane v3, v2;
	v4 =	vadd.s32 v1, v4;
	_ =	sdelay $0x1  }
0x8e: {  	v3 =	vadd.s32 v1, v3  }
0x8f: {  	s1 =	rddreg [dreg:$0x1d]  }
0x90: {  	s11 =	rddreg [dreg:$0x1c]  }
0x91: {  	[tilespmem:s11], [sflag:$0x2] =	stream.indirect_vreg.gather [hbm4b:s2+s3], $0x80, v4, vm0, $0xb8;
	[tilespmem:$0x18400] =	vst v63  }
0x92: {  	s12 =	rddreg [dreg:$0x1e]  }
0x93: {  	[tilespmem:s1], [sflag:$0x2] =	stream.indirect_vreg.gather [hbm4b:s2+s3], $0x80, v3, vm0, $0xb8;
	[tilespmem:$0x18400] =	vst v63  }
0x94: {  	s11 =	rddreg [dreg:$0x5]  }
0x95: {  	[tilespmem:s12], [sflag:$0x7] =	stream.linear.gather [hbm4b:s11+s3], $0x40, $0x38;
	[tilespmem:$0x18400] =	vst v63  }
0x96: {  	_ =	swait.ge [sflag:s5], $0x40  }
0x97: {  	[sflag:s5] =	ssyncset.done $0x0  }
0x98: {  	[sflag:s5] =	ssyncadd.s32 $0xFFFFFFC0  }
0x99: {  	v3 =	vld [tilespmem:$0x100];
	_ =	sdelay $0x4  }
0x9a: {  	v48 =	vshll.u32 v3, $0x1  }
0x9b: {  	v3 =	vand.u32 $0x7, v3;
	v4 =	vand.u32 $0xFFFFFFF0, v48  }
0x9c: {  	v3 =	vor.u32 v3, v4  }
0x9d: {  	v4 =	vperm.xlane v3, v0;
	_ =	sdelay $0x1  }
0x9e: {  	v3 =	vperm.xlane v3, v2;
	v4 =	vadd.s32 v1, v4;
	_ =	sdelay $0x1  }
0x9f: {  	v3 =	vadd.s32 v1, v3;
	_ =	sdelay $0x2  }
0xa0: {  	[tilespmem:s8], [sflag:$0x3] =	stream.indirect_vreg.gather [hbm4b:s2+s3], $0x80, v4, vm0, $0xb8;
	[tilespmem:$0x18400] =	vst v63  }
0xa1: {  	s12 =	rddreg [dreg:$0x1f]  }
0xa2: {  	[tilespmem:s12], [sflag:$0x3] =	stream.indirect_vreg.gather [hbm4b:s2+s3], $0x80, v3, vm0, $0xb8;
	[tilespmem:$0x18400] =	vst v63  }
0xa3: {  	v3 =	vld [tilespmem:$0x110];
	_ =	sdelay $0x4  }
0xa4: {  	v49 =	vshll.u32 v3, $0x1  }
0xa5: {  	v3 =	vand.u32 $0x7, v3;
	v4 =	vand.u32 $0xFFFFFFF0, v49  }
0xa6: {  	v3 =	vor.u32 v3, v4  }
0xa7: {  	v4 =	vperm.xlane v3, v0;
	_ =	sdelay $0x1  }
0xa8: {  	v3 =	vperm.xlane v3, v2;
	v4 =	vadd.s32 v1, v4;
	_ =	sdelay $0x1  }
0xa9: {  	s11 =	sld [smem:$0x7EE];
	v3 =	vadd.s32 v1, v3;
	_ =	sdelay $0x1  }
0xaa: {  	s12 =	sld [smem:$0x7EF]  }
0xab: {  	[tilespmem:s11], [sflag:$0x3] =	stream.indirect_vreg.gather [hbm4b:s2+s3], $0x80, v4, vm0, $0xb8;
	[tilespmem:$0x18400] =	vst v63  }
0xac: {  	_ = 	snop  }
0xad: {  	[tilespmem:s12], [sflag:$0x3] =	stream.indirect_vreg.gather [hbm4b:s2+s3], $0x80, v3, vm0, $0xb8;
	[tilespmem:$0x18400] =	vst v63  }
0xae: {  	v3 =	vld [tilespmem:$0x120];
	_ =	sdelay $0x4  }
0xaf: {  	v50 =	vshll.u32 v3, $0x1  }
0xb0: {  	v3 =	vand.u32 $0x7, v3;
	v4 =	vand.u32 $0xFFFFFFF0, v50  }
0xb1: {  	v3 =	vor.u32 v3, v4  }
0xb2: {  	v4 =	vperm.xlane v3, v0;
	_ =	sdelay $0x1  }
0xb3: {  	v3 =	vperm.xlane v3, v2;
	v4 =	vadd.s32 v1, v4;
	_ =	sdelay $0x1  }
0xb4: {  	s11 =	sld [smem:$0x7F0];
	v3 =	vadd.s32 v1, v3;
	_ =	sdelay $0x1  }
0xb5: {  	s12 =	sld [smem:$0x7F1]  }
0xb6: {  	[tilespmem:s11], [sflag:$0x3] =	stream.indirect_vreg.gather [hbm4b:s2+s3], $0x80, v4, vm0, $0xb8;
	[tilespmem:$0x18400] =	vst v63  }
0xb7: {  	_ = 	snop  }
0xb8: {  	[tilespmem:s12], [sflag:$0x3] =	stream.indirect_vreg.gather [hbm4b:s2+s3], $0x80, v3, vm0, $0xb8;
	[tilespmem:$0x18400] =	vst v63  }
0xb9: {  	v3 =	vld [tilespmem:$0x130];
	_ =	sdelay $0x4  }
0xba: {  	v51 =	vshll.u32 v3, $0x1  }
0xbb: {  	v3 =	vand.u32 $0x7, v3;
	v4 =	vand.u32 $0xFFFFFFF0, v51  }
0xbc: {  	v3 =	vor.u32 v3, v4  }
0xbd: {  	v4 =	vperm.xlane v3, v0;
	_ =	sdelay $0x1  }
0xbe: {  	v3 =	vperm.xlane v3, v2;
	v4 =	vadd.s32 v1, v4;
	_ =	sdelay $0x1  }
0xbf: {  	s11 =	sld [smem:$0x7F2];
	v3 =	vadd.s32 v1, v3;
	_ =	sdelay $0x1  }
0xc0: {  	s1 =	sld [smem:$0x7F3]  }
0xc1: {  	[tilespmem:s11], [sflag:$0x3] =	stream.indirect_vreg.gather [hbm4b:s2+s3], $0x80, v4, vm0, $0xb8;
	[tilespmem:$0x18400] =	vst v63  }
0xc2: {  	s12 =	sld [smem:$0x7F4]  }
0xc3: {  	[tilespmem:s1], [sflag:$0x3] =	stream.indirect_vreg.gather [hbm4b:s2+s3], $0x80, v3, vm0, $0xb8;
	[tilespmem:$0x18400] =	vst v63  }
0xc4: {  	s11 =	rddreg [dreg:$0x6]  }
0xc5: {  	[tilespmem:s12], [sflag:$0x7] =	stream.linear.gather [hbm4b:s11+s3], $0x40, $0x38;
	[tilespmem:$0x18400] =	vst v63  }
0xc6: {  	_ =	swait.ge [sflag:s5], $0x40  }
0xc7: {  	[sflag:s5] =	ssyncset.done $0x0  }
0xc8: {  	[sflag:s5] =	ssyncadd.s32 $0xFFFFFFC0  }
0xc9: {  	v3 =	vld [tilespmem:$0x200];
	_ =	sdelay $0x4  }
0xca: {  	v52 =	vshll.u32 v3, $0x1  }
0xcb: {  	v3 =	vand.u32 $0x7, v3;
	v4 =	vand.u32 $0xFFFFFFF0, v52  }
0xcc: {  	v3 =	vor.u32 v3, v4  }
0xcd: {  	v4 =	vperm.xlane v3, v0;
	_ =	sdelay $0x1  }
0xce: {  	v3 =	vperm.xlane v3, v2;
	v4 =	vadd.s32 v1, v4;
	_ =	sdelay $0x1  }
0xcf: {  	v3 =	vadd.s32 v1, v3;
	_ =	sdelay $0x1  }
0xd0: {  	s12 =	sld [smem:$0x7F5]  }
0xd1: {  	[tilespmem:s9], [sflag:$0x4] =	stream.indirect_vreg.gather [hbm4b:s2+s3], $0x80, v4, vm0, $0xb8;
	[tilespmem:$0x18400] =	vst v63  }
0xd2: {  	_ = 	snop  }
0xd3: {  	[tilespmem:s12], [sflag:$0x4] =	stream.indirect_vreg.gather [hbm4b:s2+s3], $0x80, v3, vm0, $0xb8;
	[tilespmem:$0x18400] =	vst v63  }
0xd4: {  	v3 =	vld [tilespmem:$0x210];
	_ =	sdelay $0x4  }
0xd5: {  	v53 =	vshll.u32 v3, $0x1  }
0xd6: {  	v3 =	vand.u32 $0x7, v3;
	v4 =	vand.u32 $0xFFFFFFF0, v53  }
0xd7: {  	v3 =	vor.u32 v3, v4  }
0xd8: {  	v4 =	vperm.xlane v3, v0;
	_ =	sdelay $0x1  }
0xd9: {  	v3 =	vperm.xlane v3, v2;
	v4 =	vadd.s32 v1, v4;
	_ =	sdelay $0x1  }
0xda: {  	s11 =	sld [smem:$0x7F6];
	v3 =	vadd.s32 v1, v3;
	_ =	sdelay $0x1  }
0xdb: {  	s12 =	sld [smem:$0x7F7]  }
0xdc: {  	[tilespmem:s11], [sflag:$0x4] =	stream.indirect_vreg.gather [hbm4b:s2+s3], $0x80, v4, vm0, $0xb8;
	[tilespmem:$0x18400] =	vst v63  }
0xdd: {  	_ = 	snop  }
0xde: {  	[tilespmem:s12], [sflag:$0x4] =	stream.indirect_vreg.gather [hbm4b:s2+s3], $0x80, v3, vm0, $0xb8;
	[tilespmem:$0x18400] =	vst v63  }
0xdf: {  	v3 =	vld [tilespmem:$0x220];
	_ =	sdelay $0x4  }
0xe0: {  	v54 =	vshll.u32 v3, $0x1  }
0xe1: {  	v3 =	vand.u32 $0x7, v3;
	v4 =	vand.u32 $0xFFFFFFF0, v54  }
0xe2: {  	v3 =	vor.u32 v3, v4  }
0xe3: {  	v4 =	vperm.xlane v3, v0;
	_ =	sdelay $0x1  }
0xe4: {  	v3 =	vperm.xlane v3, v2;
	v4 =	vadd.s32 v1, v4;
	_ =	sdelay $0x1  }
0xe5: {  	s11 =	sld [smem:$0x7F8];
	v3 =	vadd.s32 v1, v3;
	_ =	sdelay $0x1  }
0xe6: {  	s12 =	sld [smem:$0x7F9]  }
0xe7: {  	[tilespmem:s11], [sflag:$0x4] =	stream.indirect_vreg.gather [hbm4b:s2+s3], $0x80, v4, vm0, $0xb8;
	[tilespmem:$0x18400] =	vst v63  }
0xe8: {  	_ = 	snop  }
0xe9: {  	[tilespmem:s12], [sflag:$0x4] =	stream.indirect_vreg.gather [hbm4b:s2+s3], $0x80, v3, vm0, $0xb8;
	[tilespmem:$0x18400] =	vst v63  }
0xea: {  	v3 =	vld [tilespmem:$0x230];
	_ =	sdelay $0x4  }
0xeb: {  	v55 =	vshll.u32 v3, $0x1  }
0xec: {  	v3 =	vand.u32 $0x7, v3;
	v4 =	vand.u32 $0xFFFFFFF0, v55  }
0xed: {  	v3 =	vor.u32 v3, v4  }
0xee: {  	v4 =	vperm.xlane v3, v0;
	_ =	sdelay $0x1  }
0xef: {  	v3 =	vperm.xlane v3, v2;
	v4 =	vadd.s32 v1, v4;
	_ =	sdelay $0x1  }
0xf0: {  	s12 =	sld [smem:$0x7FA];
	v3 =	vadd.s32 v1, v3;
	_ =	sdelay $0x1  }
0xf1: {  	s1 =	sld [smem:$0x7FB]  }
0xf2: {  	[tilespmem:s12], [sflag:$0x4] =	stream.indirect_vreg.gather [hbm4b:s2+s3], $0x80, v4, vm0, $0xb8;
	[tilespmem:$0x18400] =	vst v63  }
0xf3: {  	s12 =	sld [smem:$0x7FC]  }
0xf4: {  	[tilespmem:s1], [sflag:$0x4] =	stream.indirect_vreg.gather [hbm4b:s2+s3], $0x80, v3, vm0, $0xb8;
	[tilespmem:$0x18400] =	vst v63  }
0xf5: {  	s11 =	rddreg [dreg:$0x7]  }
0xf6: {  	[tilespmem:s12], [sflag:$0x7] =	stream.linear.gather [hbm4b:s11+s3], $0x40, $0x38;
	[tilespmem:$0x18400] =	vst v63  }
0xf7: {  	_ =	swait.ge [sflag:s5], $0x40  }
0xf8: {  	[sflag:s5] =	ssyncset.done $0x0  }
0xf9: {  	[sflag:s5] =	ssyncadd.s32 $0xFFFFFFC0  }
0xfa: {  	v3 =	vld [tilespmem:$0x280];
	_ =	sdelay $0x4  }
0xfb: {  	v56 =	vshll.u32 v3, $0x1  }
0xfc: {  	v3 =	vand.u32 $0x7, v3;
	v4 =	vand.u32 $0xFFFFFFF0, v56  }
0xfd: {  	v3 =	vor.u32 v3, v4  }
0xfe: {  	v4 =	vperm.xlane v3, v0;
	_ =	sdelay $0x1  }
0xff: {  	v3 =	vperm.xlane v3, v2;
	v4 =	vadd.s32 v1, v4;
	_ =	sdelay $0x1  }
0x100: {  	v3 =	vadd.s32 v1, v3;
	_ =	sdelay $0x1  }
0x101: {  	s11 =	sld [smem:$0x7FD]  }
0x102: {  	[tilespmem:s10], [sflag:$0x5] =	stream.indirect_vreg.gather [hbm4b:s2+s3], $0x80, v4, vm0, $0xb8;
	[tilespmem:$0x18400] =	vst v63  }
0x103: {  	_ = 	snop  }
0x104: {  	[tilespmem:s11], [sflag:$0x5] =	stream.indirect_vreg.gather [hbm4b:s2+s3], $0x80, v3, vm0, $0xb8;
	[tilespmem:$0x18400] =	vst v63  }
0x105: {  	v3 =	vld [tilespmem:$0x290];
	_ =	sdelay $0x4  }
0x106: {  	v57 =	vshll.u32 v3, $0x1  }
0x107: {  	v3 =	vand.u32 $0x7, v3;
	v4 =	vand.u32 $0xFFFFFFF0, v57  }
0x108: {  	v3 =	vor.u32 v3, v4  }
0x109: {  	v4 =	vperm.xlane v3, v0;
	_ =	sdelay $0x1  }
0x10a: {  	v3 =	vperm.xlane v3, v2;
	v4 =	vadd.s32 v1, v4;
	_ =	sdelay $0x1  }
0x10b: {  	v3 =	vadd.s32 v1, v3;
	_ =	sdelay $0x1  }
0x10c: {  	s12 =	simm.s32 $0x11400  }
0x10d: {  	[tilespmem:s12], [sflag:$0x5] =	stream.indirect_vreg.gather [hbm4b:s2+s3], $0x80, v4, vm0, $0xb8;
	[tilespmem:$0x18400] =	vst v63  }
0x10e: {  	s11 =	simm.s32 $0x11C00  }
0x10f: {  	[tilespmem:s11], [sflag:$0x5] =	stream.indirect_vreg.gather [hbm4b:s2+s3], $0x80, v3, vm0, $0xb8;
	[tilespmem:$0x18400] =	vst v63  }
0x110: {  	v3 =	vld [tilespmem:$0x2A0];
	_ =	sdelay $0x4  }
0x111: {  	v58 =	vshll.u32 v3, $0x1  }
0x112: {  	v3 =	vand.u32 $0x7, v3;
	v4 =	vand.u32 $0xFFFFFFF0, v58  }
0x113: {  	v3 =	vor.u32 v3, v4  }
0x114: {  	v4 =	vperm.xlane v3, v0;
	_ =	sdelay $0x1  }
0x115: {  	v3 =	vperm.xlane v3, v2;
	v4 =	vadd.s32 v1, v4;
	_ =	sdelay $0x1  }
0x116: {  	v3 =	vadd.s32 v1, v3;
	_ =	sdelay $0x2  }
0x117: {  	[tilespmem:s13], [sflag:$0x5] =	stream.indirect_vreg.gather [hbm4b:s2+s3], $0x80, v4, vm0, $0xb8;
	[tilespmem:$0x18400] =	vst v63  }
0x118: {  	_ = 	snop  }
0x119: {  	[tilespmem:s14], [sflag:$0x5] =	stream.indirect_vreg.gather [hbm4b:s2+s3], $0x80, v3, vm0, $0xb8;
	[tilespmem:$0x18400] =	vst v63  }
0x11a: {  	v3 =	vld [tilespmem:$0x2B0];
	_ =	sdelay $0x4  }
0x11b: {  	v59 =	vshll.u32 v3, $0x1  }
0x11c: {  	v3 =	vand.u32 $0x7, v3;
	v4 =	vand.u32 $0xFFFFFFF0, v59  }
0x11d: {  	v3 =	vor.u32 v3, v4  }
0x11e: {  	v4 =	vperm.xlane v3, v0;
	_ =	sdelay $0x1  }
0x11f: {  	v3 =	vperm.xlane v3, v2;
	v4 =	vadd.s32 v1, v4;
	_ =	sdelay $0x1  }
0x120: {  	v3 =	vadd.s32 v1, v3;
	_ =	sdelay $0x2  }
0x121: {  	[tilespmem:s15], [sflag:$0x5] =	stream.indirect_vreg.gather [hbm4b:s2+s3], $0x80, v4, vm0, $0xb8;
	[tilespmem:$0x18400] =	vst v63  }
0x122: {  	_ = 	snop  }
0x123: {  	[tilespmem:s16], [sflag:$0x5] =	stream.indirect_vreg.gather [hbm4b:s2+s3], $0x80, v3, vm0, $0xb8;
	[tilespmem:$0x18400] =	vst v63  }
0x124: {  	s12 =	rddreg [dreg:$0x8]  }
0x125: {  	[tilespmem:s17], [sflag:$0x7] =	stream.linear.gather [hbm4b:s12+s3], $0x40, $0x38;
	[tilespmem:$0x18400] =	vst v63  }
0x126: {  	_ =	swait.ge [sflag:s5], $0x40  }
0x127: {  	[sflag:s5] =	ssyncset.done $0x0  }
0x128: {  	[sflag:s5] =	ssyncadd.s32 $0xFFFFFFC0  }
0x129: {  	v3 =	vld [tilespmem:$0x300];
	_ =	sdelay $0x4  }
0x12a: {  	v60 =	vshll.u32 v3, $0x1  }
0x12b: {  	v3 =	vand.u32 $0x7, v3;
	v4 =	vand.u32 $0xFFFFFFF0, v60  }
0x12c: {  	v3 =	vor.u32 v3, v4  }
0x12d: {  	v4 =	vperm.xlane v3, v0;
	_ =	sdelay $0x1  }
0x12e: {  	v3 =	vperm.xlane v3, v2;
	v4 =	vadd.s32 v1, v4;
	_ =	sdelay $0x1  }
0x12f: {  	v3 =	vadd.s32 v1, v3;
	_ =	sdelay $0x2  }
0x130: {  	[tilespmem:s18], [sflag:$0x6] =	stream.indirect_vreg.gather [hbm4b:s2+s3], $0x80, v4, vm0, $0xb8;
	[tilespmem:$0x18400] =	vst v63  }
0x131: {  	_ = 	snop  }
0x132: {  	[tilespmem:s19], [sflag:$0x6] =	stream.indirect_vreg.gather [hbm4b:s2+s3], $0x80, v3, vm0, $0xb8;
	[tilespmem:$0x18400] =	vst v63  }
0x133: {  	v3 =	vld [tilespmem:$0x310];
	_ =	sdelay $0x4  }
0x134: {  	v61 =	vshll.u32 v3, $0x1  }
0x135: {  	v3 =	vand.u32 $0x7, v3;
	v4 =	vand.u32 $0xFFFFFFF0, v61  }
0x136: {  	v3 =	vor.u32 v3, v4  }
0x137: {  	v4 =	vperm.xlane v3, v0;
	_ =	sdelay $0x1  }
0x138: {  	v3 =	vperm.xlane v3, v2;
	v4 =	vadd.s32 v1, v4;
	_ =	sdelay $0x1  }
0x139: {  	v3 =	vadd.s32 v1, v3;
	_ =	sdelay $0x2  }
0x13a: {  	[tilespmem:s20], [sflag:$0x6] =	stream.indirect_vreg.gather [hbm4b:s2+s3], $0x80, v4, vm0, $0xb8;
	[tilespmem:$0x18400] =	vst v63  }
0x13b: {  	_ = 	snop  }
0x13c: {  	[tilespmem:s21], [sflag:$0x6] =	stream.indirect_vreg.gather [hbm4b:s2+s3], $0x80, v3, vm0, $0xb8;
	[tilespmem:$0x18400] =	vst v63  }
0x13d: {  	v3 =	vld [tilespmem:$0x320];
	_ =	sdelay $0x4  }
0x13e: {  	v62 =	vshll.u32 v3, $0x1  }
0x13f: {  	v3 =	vand.u32 $0x7, v3;
	v4 =	vand.u32 $0xFFFFFFF0, v62  }
0x140: {  	v3 =	vor.u32 v3, v4  }
0x141: {  	v4 =	vperm.xlane v3, v0;
	_ =	sdelay $0x1  }
0x142: {  	v3 =	vperm.xlane v3, v2;
	v4 =	vadd.s32 v1, v4;
	_ =	sdelay $0x1  }
0x143: {  	v3 =	vadd.s32 v1, v3;
	_ =	sdelay $0x2  }
0x144: {  	[tilespmem:s22], [sflag:$0x6] =	stream.indirect_vreg.gather [hbm4b:s2+s3], $0x80, v4, vm0, $0xb8;
	[tilespmem:$0x18400] =	vst v63  }
0x145: {  	_ = 	snop  }
0x146: {  	[tilespmem:s23], [sflag:$0x6] =	stream.indirect_vreg.gather [hbm4b:s2+s3], $0x80, v3, vm0, $0xb8;
	[tilespmem:$0x18400] =	vst v63  }
0x147: {  	v3 =	vld [tilespmem:$0x330];
	_ =	sdelay $0x4  }
0x148: {  	v63 =	vshll.u32 v3, $0x1  }
0x149: {  	v3 =	vand.u32 $0x7, v3;
	v4 =	vand.u32 $0xFFFFFFF0, v63  }
0x14a: {  	v3 =	vor.u32 v3, v4  }
0x14b: {  	v4 =	vperm.xlane v3, v0;
	_ =	sdelay $0x1  }
0x14c: {  	v3 =	vperm.xlane v3, v2;
	v4 =	vadd.s32 v1, v4;
	_ =	sdelay $0x1  }
0x14d: {  	v3 =	vadd.s32 v1, v3;
	_ =	sdelay $0x2  }
0x14e: {  	[tilespmem:s24], [sflag:$0x6] =	stream.indirect_vreg.gather [hbm4b:s2+s3], $0x80, v4, vm0, $0xb8;
	[tilespmem:$0x18400] =	vst v63  }
0x14f: {  	_ = 	snop  }
0x150: {  	[tilespmem:s25], [sflag:$0x6] =	stream.indirect_vreg.gather [hbm4b:s2+s3], $0x80, v3, vm0, $0xb8;
	[tilespmem:$0x18400] =	vst v63  }
0x151: {  	_ =	swait.ge [sflag:s26], $0x4000  }
0x152: {  	[sflag:s26] =	ssyncset.done $0x0  }
0x153: {  	s11 =	rddreg [dreg:$0x9];
	[sflag:s26] =	ssyncadd.s32 $0xFFFFC000  }
0x154: {  	[hbm4b:s11+s3] =	stream.linear.scatter [tilespmem:s6], [sflag:$0x7], $0x4000, $0x38;
	[tilespmem:$0x18400] =	vst v63  }
0x155: {  	_ =	swait.ge [sflag:s5], $0x4000  }
0x156: {  	[sflag:s5] =	ssyncset.done $0x0  }
0x157: {  	[sflag:s5] =	ssyncadd.s32 $0xFFFFC000  }
0x158: {  	_ =	swait.ge [sflag:s28], $0x4000  }
0x159: {  	[sflag:s28] =	ssyncset.done $0x0  }
0x15a: {  	s12 =	rddreg [dreg:$0xa];
	[sflag:s28] =	ssyncadd.s32 $0xFFFFC000  }
0x15b: {  	[hbm4b:s12+s3] =	stream.linear.scatter [tilespmem:s7], [sflag:$0x7], $0x4000, $0x38;
	[tilespmem:$0x18400] =	vst v63  }
0x15c: {  	_ =	swait.ge [sflag:s5], $0x4000  }
0x15d: {  	[sflag:s5] =	ssyncset.done $0x0  }
0x15e: {  	[sflag:s5] =	ssyncadd.s32 $0xFFFFC000  }
0x15f: {  	_ =	swait.ge [sflag:s29], $0x4000  }
0x160: {  	[sflag:s29] =	ssyncset.done $0x0  }
0x161: {  	s11 =	rddreg [dreg:$0xb];
	[sflag:s29] =	ssyncadd.s32 $0xFFFFC000  }
0x162: {  	[hbm4b:s11+s3] =	stream.linear.scatter [tilespmem:s8], [sflag:$0x7], $0x4000, $0x38;
	[tilespmem:$0x18400] =	vst v63  }
0x163: {  	_ =	swait.ge [sflag:s5], $0x4000  }
0x164: {  	[sflag:s5] =	ssyncset.done $0x0  }
0x165: {  	[sflag:s5] =	ssyncadd.s32 $0xFFFFC000  }
0x166: {  	_ =	swait.ge [sflag:s30], $0x4000  }
0x167: {  	[sflag:s30] =	ssyncset.done $0x0  }
0x168: {  	s12 =	rddreg [dreg:$0xc];
	[sflag:s30] =	ssyncadd.s32 $0xFFFFC000  }
0x169: {  	[hbm4b:s12+s3] =	stream.linear.scatter [tilespmem:s9], [sflag:$0x7], $0x4000, $0x38;
	[tilespmem:$0x18400] =	vst v63  }
0x16a: {  	_ =	swait.ge [sflag:s5], $0x4000  }
0x16b: {  	[sflag:s5] =	ssyncset.done $0x0  }
0x16c: {  	[sflag:s5] =	ssyncadd.s32 $0xFFFFC000  }
0x16d: {  	_ =	swait.ge [sflag:s31], $0x4000  }
0x16e: {  	[sflag:s31] =	ssyncset.done $0x0  }
0x16f: {  	s11 =	rddreg [dreg:$0xd];
	[sflag:s31] =	ssyncadd.s32 $0xFFFFC000  }
0x170: {  	[hbm4b:s11+s3] =	stream.linear.scatter [tilespmem:s10], [sflag:$0x7], $0x4000, $0x38;
	[tilespmem:$0x18400] =	vst v63  }
0x171: {  	_ =	swait.ge [sflag:s5], $0x4000  }
0x172: {  	[sflag:s5] =	ssyncset.done $0x0  }
0x173: {  	[sflag:s5] =	ssyncadd.s32 $0xFFFFC000  }
0x174: {  	_ =	swait.ge [sflag:s0], $0x4000  }
0x175: {  	p0 =	sne.s32 s4, $0x1;
	[sflag:s0] =	ssyncset.done $0x0  }
.Ltmp0:
0x176: {  	s12 =	rddreg [dreg:$0xe];
	[sflag:s0] =	ssyncadd.s32 $0xFFFFC000;
	(pc) =	sbr.rel @p0 .LBB2_1-.Ltmp0, $4  }
0x177: {  	[hbm4b:s12+s3] =	stream.linear.scatter [tilespmem:s18], [sflag:$0x7], $0x4000, $0x38;
	[tilespmem:$0x18400] =	vst v63  }
0x178: {  	_ =	swait.ge [sflag:s5], $0x4000  }
0x179: {  	[sflag:s5] =	ssyncset.done $0x0  }
0x17a: {  	s4 =	sadd.s32 $0xFFFFFFFF, s4;
	[sflag:s5] =	ssyncadd.s32 $0xFFFFC000  }
0x17b: {  	_ =	sfence.sel $0x180000  }
0x17c: {  	[bflag:$0x0] =	sbarrier.arrive $0xFFFF  }
0x17d: {  	_ =	strace $0x90000047  }
0x17e: {  	s0 =	stileid.u32;
	[bflag:$0x2] =	sbarrier.arrive $0xFFFF  }
0x17f: {  	p0 =	sne.s32 s0, $0x0;
	s0 =	rddreg [dreg:$0x2]  }
0x180: {  	s0 =	sadd.s32 @!p0 $0x100000, s0  }
0x181: {  	[sflag:s0] =	ssyncadd.tile.s32 @!p0 $0x1;
	_ =	shalt  }
.Lfunc_end2:
_tile_overlayer_lowered:
.L_overlay_start_2:
0x182: {  	(tag) =	ssettag $0x2  }
0x183: {  	s0 =	rddreg [dreg:$0x0];
	s2 =	stileid.u32  }
0x184: {  	s1 =	rddreg [dreg:$0x1];
	p0 =	sne.s32 s2, $0x0  }
0x185: {  	s3 =	rddreg [dreg:$0x2];
	[bflag:$0x3] =	sbarrier.arrive $0xFFFF;
	s2 =	simm.s32 @!p0 $0x1C07  }
0x186: {  	[timem:s3], [sflag:s2] =	dma.local @!p0 [hbm:s0], s1  }
0x187: {  	s0 =	simm.s32 @!p0 $0x7  }
0x188: {  	_ =	swait.ge @!p0 [sflag:s0], s1  }
0x189: {  	s1 =	ssub.s32 @!p0 $0x0, s1;
	[sflag:s0] =	ssyncset.done @!p0 $0x0  }
0x18a: {  	[sflag:s0] =	ssyncadd.s32 @!p0 s1  }
0x18b: {  	[bflag:$0x3] =	sbarrier.arrive $0xFFFF  }
0x18c: {  	_ =	shalt  }

</sc_bundles>
